<compile_context>
chip_gen: v7x
topology: tpu7x:2x2x1
jax: 0.10.2.dev20260603
libtpu: 0.0.44.dev20260713+nightly
codegen_flags: <defaults>
</compile_context>

<pallas_src>
import functools

import numpy as np
import jax
import jax.numpy as jnp
from jax import lax
from jax.experimental import pallas as pl
from jax.experimental.pallas import tpu as pltpu
from jax.experimental.pallas import tpu_sc as plsc

IMG_H, IMG_W = 512, 512
FH, FW = 32, 32
C_IN, HID = 384, 512
A = 9
L = 8
HW = FH * FW
N_ANC = HW * A
PRE_NMS, POST_NMS = 512, 128
MIN_SCORE, IOU_THR, MIN_SIZE = 0.5, 0.7, 1e-3
ROWS_PER_IMG = 520
N_TILES = 32
ELEM_PER_TILE = L * N_ANC // N_TILES
SCAT_BATCH = 128


def _anchor_consts():
    sy, sx = IMG_H / FH, IMG_W / FW
    fw = np.arange(FW, dtype=np.float32)
    fh = np.arange(FH, dtype=np.float32)
    cx = (fw + 0.5) * np.float32(sx)
    cy = (fh + 0.5) * np.float32(sy)
    wh = np.array([[s / np.sqrt(r), s * np.sqrt(r)]
                   for s in (32.0, 64.0, 128.0) for r in (0.5, 1.0, 2.0)],
                  dtype=np.float32)
    ACX = np.broadcast_to(np.tile(cx, FH)[None, :], (A, HW)).copy()
    ACY = np.broadcast_to(np.repeat(cy, FW)[None, :], (A, HW)).copy()
    AW = np.broadcast_to(wh[:, 0][:, None], (A, HW)).copy()
    AH = np.broadcast_to(wh[:, 1][:, None], (A, HW)).copy()
    IREF = (np.arange(HW, dtype=np.float32)[None, :] * A
            + np.arange(A, dtype=np.float32)[:, None])
    flat = np.arange(A * HW).reshape(A, HW)
    DUMP = (512 + flat // (N_ANC // 4)).astype(np.int32)
    return ACX, ACY, AW, AH, IREF, DUMP


def _prefix_lanes(y):
    n = y.shape[1]
    k = 1
    while k < n:
        pad = jnp.zeros((y.shape[0], k), y.dtype)
        y = y + jnp.concatenate([pad, y[:, :-k]], axis=1)
        k *= 2
    return y


def _prefix_rows(y):
    n = y.shape[0]
    k = 1
    while k < n:
        pad = jnp.zeros((k, y.shape[1]), y.dtype)
        y = y + jnp.concatenate([pad, y[:-k, :]], axis=0)
        k *= 2
    return y


def _dot_hi(a, b):
    return lax.dot_general(a, b, (((1,), (0,)), ((), ())),
                           precision=lax.Precision.HIGHEST,
                           preferred_element_type=jnp.float32)


def _head_body(h_ref, w2_ref, b2_ref, w3_ref, b3_ref,
               acx_ref, acy_ref, aw_ref, ah_ref, dump_ref, iref_ref,
               triu_ref, tri9_ref, v16_ref, dest_ref):
    h = h_ref[0]

    logit = lax.dot_general(w2_ref[...], h, (((1,), (0,)), ((), ())),
                            preferred_element_type=jnp.float32)
    logit = logit + b2_ref[:, 0][:, None]
    sc = 1.0 / (1.0 + jnp.exp(-logit))
    off = lax.dot_general(w3_ref[...], h, (((1,), (0,)), ((), ())),
                          preferred_element_type=jnp.float32)
    off = off + b3_ref[:, 0][:, None]

    dxo, dyo, dwo, dho = off[0:9], off[9:18], off[18:27], off[27:36]
    acx, acy = acx_ref[...], acy_ref[...]
    aw, ah = aw_ref[...], ah_ref[...]
    cx = acx + dxo * aw
    cy = acy + dyo * ah
    w = aw * jnp.exp(jnp.clip(dwo, -10.0, 10.0))
    hh = ah * jnp.exp(jnp.clip(dho, -10.0, 10.0))
    x1 = jnp.clip(cx - w / 2, 0.0, float(IMG_W))
    y1 = jnp.clip(cy - hh / 2, 0.0, float(IMG_H))
    x2 = jnp.clip(cx + w / 2, 0.0, float(IMG_W))
    y2 = jnp.clip(cy + hh / 2, 0.0, float(IMG_H))

    sbits = lax.bitcast_convert_type(sc, jnp.int32)

    def bis_body(_, lh):
        lo, hi = lh
        mid = lo + ((hi - lo) >> 1)
        cnt = jnp.sum((sbits > mid).astype(jnp.int32))
        return jnp.where(cnt < PRE_NMS, lo, mid + 1), jnp.where(cnt < PRE_NMS, mid, hi)

    lo, _ = lax.fori_loop(0, 31, bis_body, (jnp.int32(0), jnp.int32(2**31 - 1)))
    T = lo
    gt = (sbits > T).astype(jnp.int32)
    eq = (sbits == T).astype(jnp.int32)
    need = PRE_NMS - jnp.sum(gt)

    triu = triu_ref[...]
    tri9 = tri9_ref[...]

    def excl_prefix(m):
        mf = m.astype(jnp.float32)
        incl = lax.dot_general(mf, triu, (((1,), (0,)), ((), ())),
                               preferred_element_type=jnp.float32)
        rowtot = incl[:, HW - 1:HW]
        roff = _dot_hi(tri9, rowtot)
        return (incl + roff - mf).astype(jnp.int32)

    sel = (gt + eq * (excl_prefix(eq) < need).astype(jnp.int32)) > 0
    dest_local = excl_prefix(sel.astype(jnp.int32))
    base = pl.program_id(0) * ROWS_PER_IMG
    dest = jnp.where(sel, dest_local, dump_ref[...]) + base

    pad10 = jnp.zeros((10, HW), jnp.float32)
    iref = iref_ref[...]
    for a_ in range(A):
        S = jnp.concatenate(
            [sc[a_:a_ + 1], x1[a_:a_ + 1], y1[a_:a_ + 1], x2[a_:a_ + 1],
             y2[a_:a_ + 1], iref[a_:a_ + 1], pad10], axis=0)
        v16_ref[0, a_ * HW:(a_ + 1) * HW, :] = jnp.transpose(S)
    dest_ref[0] = dest


def _sc_route_body(vals_hbm, idx_hbm, out_hbm, rows_v, idx_v, sem):
    wid = lax.axis_index("s") * 2 + lax.axis_index("c")
    pltpu.sync_copy(vals_hbm.at[wid], rows_v)
    pltpu.sync_copy(idx_hbm.at[wid], idx_v)
    handles = []
    for j in range(ELEM_PER_TILE // SCAT_BATCH):
        handles.append(pltpu.async_copy(
            rows_v.at[pl.ds(j * SCAT_BATCH, SCAT_BATCH)],
            out_hbm.at[idx_v.at[j]], sem))
    for hcopy in handles:
        hcopy.wait()


def _tail_body(comp_ref, out_ref):
    comp = comp_ref[0, 0:PRE_NMS, :]
    scs = comp[:, 0:1]
    irs = comp[:, 5:6]
    scT = jnp.transpose(scs)
    irT = jnp.transpose(irs)
    before = (scT > scs) | ((scT == scs) & (irT < irs))
    rank = jnp.sum(before.astype(jnp.int32), axis=1, keepdims=True)
    iota_r = lax.broadcasted_iota(jnp.int32, (PRE_NMS, PRE_NMS), 0)
    P = (jnp.transpose(rank) == iota_r).astype(jnp.float32)
    srt = _dot_hi(P, comp)

    ssc = srt[:, 0]
    sx1, sy1, sx2, sy2 = srt[:, 1], srt[:, 2], srt[:, 3], srt[:, 4]
    valid = (((sx2 - sx1) >= MIN_SIZE) & ((sy2 - sy1) >= MIN_SIZE)
             & (ssc >= MIN_SCORE))
    area = jnp.maximum(sx2 - sx1, 0.0) * jnp.maximum(sy2 - sy1, 0.0)
    ix1 = jnp.maximum(sx1[:, None], sx1[None, :])
    iy1 = jnp.maximum(sy1[:, None], sy1[None, :])
    ix2 = jnp.minimum(sx2[:, None], sx2[None, :])
    iy2 = jnp.minimum(sy2[:, None], sy2[None, :])
    inter = jnp.maximum(ix2 - ix1, 0.0) * jnp.maximum(iy2 - iy1, 0.0)
    iou = inter / (area[:, None] + area[None, :] - inter + 1e-9)

    rowi = lax.broadcasted_iota(jnp.int32, (PRE_NMS, PRE_NMS), 0)
    coli = lax.broadcasted_iota(jnp.int32, (PRE_NMS, PRE_NMS), 1)
    Mf = ((iou > IOU_THR) & (rowi < coli)).astype(jnp.float32)

    validrow = valid[None, :].astype(jnp.float32)

    def nms_cond(c):
        a_cur, a_prev, it = c
        return jnp.logical_and(jnp.any(a_cur != a_prev), it < PRE_NMS + 2)

    def nms_body(c):
        a_cur, _, it = c
        s = lax.dot_general(a_cur, Mf, (((1,), (0,)), ((), ())),
                            preferred_element_type=jnp.float32)
        return jnp.where(s > 0.0, 0.0, validrow), a_cur, it + 1

    act, _, _ = lax.while_loop(nms_cond, nms_body,
                               (validrow, validrow - 1.0, jnp.int32(0)))

    acti = act.astype(jnp.int32)
    kdest = _prefix_lanes(acti) - 1
    iota128 = lax.broadcasted_iota(jnp.int32, (POST_NMS, PRE_NMS), 0)
    oh2 = ((kdest == iota128) & (acti > 0)).astype(jnp.float32)
    out_ref[0] = _dot_hi(oh2, srt[:, 0:8])


def _const_spec(shape):
    nd = len(shape)
    return pl.BlockSpec(shape, lambda i: (0,) * nd)


def kernel(feature_maps, W1, b1, W2, b2, W3, b3):
    x = feature_maps.reshape((-1, C_IN, FH, FW))
    y = lax.conv_general_dilated(x, W1, (1, 1), [(1, 1), (1, 1)],
                                 dimension_numbers=('NCHW', 'OIHW', 'NCHW'))
    h = jax.nn.relu(y + b1[None, :, None, None]).reshape(L, HID, HW)

    ACX, ACY, AW, AH, IREF, DUMP = _anchor_consts()
    perm = np.array([4 * a_ + k for k in range(4) for a_ in range(A)])
    W2r = W2.reshape(A, HID)
    W3g = W3.reshape(4 * A, HID)[perm]
    b3g = b3[perm]

    head_out_shapes = [jax.ShapeDtypeStruct((L, N_ANC, 16), jnp.float32),
                       jax.ShapeDtypeStruct((L, A, HW), jnp.int32)]
    v16, dest_a = pl.pallas_call(
        _head_body,
        grid=(L,),
        in_specs=[
            pl.BlockSpec((1, HID, HW), lambda i: (i, 0, 0)),
            _const_spec((A, HID)),
            _const_spec((A, 1)),
            _const_spec((4 * A, HID)),
            _const_spec((4 * A, 1)),
            _const_spec((A, HW)),
            _const_spec((A, HW)),
            _const_spec((A, HW)),
            _const_spec((A, HW)),
            _const_spec((A, HW)),
            _const_spec((A, HW)),
            _const_spec((HW, HW)),
            _const_spec((A, A)),
        ],
        out_specs=[pl.BlockSpec((1, N_ANC, 16), lambda i: (i, 0, 0)),
                   pl.BlockSpec((1, A, HW), lambda i: (i, 0, 0))],
        out_shape=head_out_shapes,
        compiler_params=pltpu.CompilerParams(
            dimension_semantics=("parallel",)),
    )(h, W2r, b2[:, None], W3g, b3g[:, None],
      jnp.asarray(ACX), jnp.asarray(ACY), jnp.asarray(AW), jnp.asarray(AH),
      jnp.asarray(DUMP), jnp.asarray(IREF),
      jnp.asarray(np.triu(np.ones((HW, HW), np.float32))),
      jnp.asarray(np.tril(np.ones((A, A), np.float32), -1)))

    vals_t = v16.reshape(N_TILES, ELEM_PER_TILE, 16)
    idx_t = dest_a.reshape(N_TILES, ELEM_PER_TILE // SCAT_BATCH, SCAT_BATCH)

    mesh = plsc.VectorSubcoreMesh(core_axis_name="c", subcore_axis_name="s")
    comp = functools.partial(
        pl.kernel, mesh=mesh,
        compiler_params=pltpu.CompilerParams(use_tc_tiling_on_sc=False),
        out_type=jax.ShapeDtypeStruct((L * ROWS_PER_IMG, 16), jnp.float32),
        scratch_types=[
            pltpu.VMEM((ELEM_PER_TILE, 16), jnp.float32),
            pltpu.VMEM((ELEM_PER_TILE // SCAT_BATCH, SCAT_BATCH), jnp.int32),
            pltpu.SemaphoreType.DMA,
        ],
    )(_sc_route_body)(vals_t, idx_t)

    comp = comp.reshape(L, ROWS_PER_IMG, 16)

    out = pl.pallas_call(
        _tail_body,
        grid=(L,),
        in_specs=[pl.BlockSpec((1, ROWS_PER_IMG, 16), lambda i: (i, 0, 0))],
        out_specs=pl.BlockSpec((1, POST_NMS, 8), lambda i: (i, 0, 0)),
        out_shape=jax.ShapeDtypeStruct((L, POST_NMS, 8), jnp.float32),
        compiler_params=pltpu.CompilerParams(
            dimension_semantics=("parallel",)),
    )(comp)

    return out[:, :, 1:5], out[:, :, 0]

# --- scband reference (transcript-rebuilt; emitter-appended) ---
"""Pipeline reference for scband-region-proposal-network-15831249453407 (READ-ONLY COPY).

The authoritative reference and input builder live on the scoring server;
editing this copy changes nothing except your own understanding.
"""

import jax, jax.numpy as jnp
import numpy as np
from jax import lax

IMG_H, IMG_W = 512, 512
FH, FW = 32, 32
C_IN, HID = 384, 512
SIZES = (32.0, 64.0, 128.0)
RATIOS = (0.5, 1.0, 2.0)
A = len(SIZES) * len(RATIOS)
L = 8
PRE_NMS, POST_NMS = 512, 128
MIN_SCORE, IOU_THR, MIN_SIZE = 0.5, 0.7, 1e-3


def gen_anchor_boxes():
    sy, sx = IMG_H / FH, IMG_W / FW
    cy = (jnp.arange(FH, dtype=jnp.float32) + 0.5) * sy
    cx = (jnp.arange(FW, dtype=jnp.float32) + 0.5) * sx
    wh = jnp.array([[s / np.sqrt(r), s * np.sqrt(r)] for s in SIZES for r in RATIOS], dtype=jnp.float32)
    cyg, cxg = jnp.meshgrid(cy, cx, indexing='ij')
    ctr = jnp.stack([cxg, cyg], axis=-1)
    ctr = jnp.broadcast_to(ctr[:, :, None, :], (FH, FW, A, 2))
    whb = jnp.broadcast_to(wh[None, None, :, :], (FH, FW, A, 2))
    return jnp.concatenate([ctr, whb], axis=-1).reshape(-1, 4)


def conv2d(x, w, b, pad):
    y = lax.conv_general_dilated(x, w, (1, 1), [(pad, pad), (pad, pad)],
                                 dimension_numbers=('NCHW', 'OIHW', 'NCHW'))
    return y + b[None, :, None, None]


def setup_inputs(seed: int = 0):
    key = jax.random.key(seed)
    ks = jax.random.split(key, 8)
    feature_maps = jax.random.normal(ks[0], (L, 1, C_IN, FH, FW), dtype=jnp.float32)
    W1 = jax.random.normal(ks[1], (HID, C_IN, 3, 3), dtype=jnp.float32) * 0.02
    b1 = jnp.zeros((HID,), jnp.float32)
    W2 = jax.random.normal(ks[2], (A, HID, 1, 1), dtype=jnp.float32) * 0.05
    b2 = jnp.zeros((A,), jnp.float32)
    W3 = jax.random.normal(ks[3], (4 * A, HID, 1, 1), dtype=jnp.float32) * 0.01
    b3 = jnp.zeros((4 * A,), jnp.float32)
    return {'feature_maps': feature_maps, 'W1': W1, 'b1': b1, 'W2': W2, 'b2': b2, 'W3': W3, 'b3': b3}


def _pairwise_iou(bx):
    x1, y1, x2, y2 = bx[:, 0], bx[:, 1], bx[:, 2], bx[:, 3]
    area = jnp.maximum(x2 - x1, 0.0) * jnp.maximum(y2 - y1, 0.0)
    ix1 = jnp.maximum(x1[:, None], x1[None, :])
    iy1 = jnp.maximum(y1[:, None], y1[None, :])
    ix2 = jnp.minimum(x2[:, None], x2[None, :])
    iy2 = jnp.minimum(y2[:, None], y2[None, :])
    inter = jnp.maximum(ix2 - ix1, 0.0) * jnp.maximum(iy2 - iy1, 0.0)
    return inter / (area[:, None] + area[None, :] - inter + 1e-9)


def _nms_keep(bx, valid):
    n = bx.shape[0]
    iou = _pairwise_iou(bx)
    idxs = jnp.arange(n)

    def body(i, active):
        sup = (iou[i] > IOU_THR) & (idxs > i) & active[i] & active
        return active & (~sup)

    return lax.fori_loop(0, n, body, valid)


def _per_image(boxes, scores):
    sc, idx = lax.top_k(scores, PRE_NMS)
    bx = boxes[idx]
    x1 = jnp.clip(bx[:, 0], 0.0, float(IMG_W))
    y1 = jnp.clip(bx[:, 1], 0.0, float(IMG_H))
    x2 = jnp.clip(bx[:, 2], 0.0, float(IMG_W))
    y2 = jnp.clip(bx[:, 3], 0.0, float(IMG_H))
    bx = jnp.stack([x1, y1, x2, y2], axis=-1)
    valid = ((x2 - x1) >= MIN_SIZE) & ((y2 - y1) >= MIN_SIZE) & (sc >= MIN_SCORE)
    active = _nms_keep(lax.stop_gradient(bx), valid)
    order = jnp.argsort(jnp.where(active, 0, 1))
    sel = order[:POST_NMS]
    m = active[sel]
    return bx[sel] * m[:, None].astype(bx.dtype), sc[sel] * m.astype(sc.dtype)


def reference(feature_maps, W1, b1, W2, b2, W3, b3):
    anchors = gen_anchor_boxes()
    x = feature_maps.reshape((-1, C_IN, FH, FW))
    h = jax.nn.relu(conv2d(x, W1, b1, 1))
    cls = jax.nn.sigmoid(conv2d(h, W2, b2, 0))
    off = conv2d(h, W3, b3, 0)
    cls = cls.reshape(L, A, FH * FW).transpose(0, 2, 1).reshape(L, -1)
    off = off.reshape(L, 4 * A, FH * FW).transpose(0, 2, 1).reshape(L, -1, 4)
    acx, acy, aw, ah = anchors[:, 0], anchors[:, 1], anchors[:, 2], anchors[:, 3]
    cx = acx[None] + off[:, :, 0] * aw[None]
    cy = acy[None] + off[:, :, 1] * ah[None]
    w = aw[None] * jnp.exp(jnp.clip(off[:, :, 2], -10.0, 10.0))
    hh = ah[None] * jnp.exp(jnp.clip(off[:, :, 3], -10.0, 10.0))
    boxes = jnp.stack([cx - w / 2, cy - hh / 2, cx + w / 2, cy + hh / 2], axis=-1)
    best_boxes, best_scores = jax.vmap(_per_image)(boxes, cls)
    return best_boxes, best_scores

if __name__ == "__main__":
    import jax
    _d = setup_inputs()
    print(jax.jit(kernel)(*tuple(_d.values())))

</pallas_src>

<mosaic_0001>
#map = affine_map<(d0, d1) -> (0, 0, 0)>
#map1 = affine_map<(d0, d1) -> (0, 0)>
module attributes {stable_mosaic.version = 14 : i64} {
  func.func @_sc_route_body(%arg0: i32, %arg1: i32, %arg2: memref<32x2304x16xf32, #tpu.memory_space<hbm>>, %arg3: memref<32x18x128xi32, #tpu.memory_space<hbm>>, %arg4: memref<4160x16xf32, #tpu.memory_space<hbm>>, %arg5: memref<2304x16xf32, #tpu.memory_space<vmem>>, %arg6: memref<18x128xi32, #tpu.memory_space<vmem>>, %arg7: memref<!tpu.dma_semaphore, #tpu.memory_space<semaphore_mem>>) attributes {dimension_semantics = [#tpu.dimension_semantics<core_parallel>, #tpu.dimension_semantics<subcore_parallel>], iteration_bounds = array<i64: 2, 16>, scalar_prefetch = 0 : i64, scratch_operands = 3 : i64, tpu.core_type = #tpu.core_type<sc_vector_subcore>, window_params = [{transform_indices = #map}, {transform_indices = #map}, {transform_indices = #map1}]} {
    %mul3A = arith.constant 2 : i32
    %mul3A_0 = arith.muli %arg1, %mul3A : i32
    %add3A = arith.addi %mul3A_0, %arg0 : i32
    "tpu.region"() ({
      %run_scoped3A = tpu.sem_alloc : memref<!tpu.dma_semaphore, #tpu.memory_space<semaphore_mem>>
      %dma_start3A_359 = arith.constant 0 : i32
      %dma_start3A_360 = arith.constant 0 : i32
      %dma_start3A_361 = tpu.memref_slice %arg2[%add3A, %dma_start3A_359, %dma_start3A_360] : memref<32x2304x16xf32, #tpu.memory_space<hbm>> -> memref<1x2304x16xf32, #tpu.memory_space<hbm>>
      %dma_start3A_362 = tpu.memref_squeeze %dma_start3A_361 : memref<1x2304x16xf32, #tpu.memory_space<hbm>> -> memref<2304x16xf32, #tpu.memory_space<hbm>>
      %dma_start3A_363 = arith.constant 0 : i32
      %dma_start3A_364 = arith.constant 0 : i32
      %dma_start3A_365 = tpu.memref_slice %arg2[%add3A, %dma_start3A_363, %dma_start3A_364] : memref<32x2304x16xf32, #tpu.memory_space<hbm>> -> memref<1x2304x16xf32, #tpu.memory_space<hbm>>
      %dma_start3A_366 = tpu.memref_squeeze %dma_start3A_365 : memref<1x2304x16xf32, #tpu.memory_space<hbm>> -> memref<2304x16xf32, #tpu.memory_space<hbm>>
      tpu.enqueue_dma source(%dma_start3A_366 : memref<2304x16xf32, #tpu.memory_space<hbm>>) target(%arg5 : memref<2304x16xf32, #tpu.memory_space<vmem>>) target_semaphore(%run_scoped3A : memref<!tpu.dma_semaphore, #tpu.memory_space<semaphore_mem>>)
      %dma_wait3A_367 = arith.constant 0 : i32
      %dma_wait3A_368 = arith.constant 0 : i32
      %dma_wait3A_369 = tpu.memref_slice %arg2[%add3A, %dma_wait3A_367, %dma_wait3A_368] : memref<32x2304x16xf32, #tpu.memory_space<hbm>> -> memref<1x2304x16xf32, #tpu.memory_space<hbm>>
      %dma_wait3A_370 = tpu.memref_squeeze %dma_wait3A_369 : memref<1x2304x16xf32, #tpu.memory_space<hbm>> -> memref<2304x16xf32, #tpu.memory_space<hbm>>
      %dma_wait3A_371 = arith.constant 0 : i32
      %dma_wait3A_372 = arith.constant 0 : i32
      %dma_wait3A_373 = tpu.memref_slice %arg2[%add3A, %dma_wait3A_371, %dma_wait3A_372] : memref<32x2304x16xf32, #tpu.memory_space<hbm>> -> memref<1x2304x16xf32, #tpu.memory_space<hbm>>
      %dma_wait3A_374 = tpu.memref_squeeze %dma_wait3A_373 : memref<1x2304x16xf32, #tpu.memory_space<hbm>> -> memref<2304x16xf32, #tpu.memory_space<hbm>>
      tpu.wait_dma2 semaphore(%run_scoped3A : memref<!tpu.dma_semaphore, #tpu.memory_space<semaphore_mem>>) src(%dma_wait3A_374 : memref<2304x16xf32, #tpu.memory_space<hbm>>) dst(%arg5 : memref<2304x16xf32, #tpu.memory_space<vmem>>)
      tpu.yield
    }) : () -> ()
    "tpu.region"() ({
      %run_scoped3A = tpu.sem_alloc : memref<!tpu.dma_semaphore, #tpu.memory_space<semaphore_mem>>
      %dma_start3A_359 = arith.constant 0 : i32
      %dma_start3A_360 = arith.constant 0 : i32
      %dma_start3A_361 = tpu.memref_slice %arg3[%add3A, %dma_start3A_359, %dma_start3A_360] : memref<32x18x128xi32, #tpu.memory_space<hbm>> -> memref<1x18x128xi32, #tpu.memory_space<hbm>>
      %dma_start3A_362 = tpu.memref_squeeze %dma_start3A_361 : memref<1x18x128xi32, #tpu.memory_space<hbm>> -> memref<18x128xi32, #tpu.memory_space<hbm>>
      %dma_start3A_363 = arith.constant 0 : i32
      %dma_start3A_364 = arith.constant 0 : i32
      %dma_start3A_365 = tpu.memref_slice %arg3[%add3A, %dma_start3A_363, %dma_start3A_364] : memref<32x18x128xi32, #tpu.memory_space<hbm>> -> memref<1x18x128xi32, #tpu.memory_space<hbm>>
      %dma_start3A_366 = tpu.memref_squeeze %dma_start3A_365 : memref<1x18x128xi32, #tpu.memory_space<hbm>> -> memref<18x128xi32, #tpu.memory_space<hbm>>
      tpu.enqueue_dma source(%dma_start3A_366 : memref<18x128xi32, #tpu.memory_space<hbm>>) target(%arg6 : memref<18x128xi32, #tpu.memory_space<vmem>>) target_semaphore(%run_scoped3A : memref<!tpu.dma_semaphore, #tpu.memory_space<semaphore_mem>>)
      %dma_wait3A_367 = arith.constant 0 : i32
      %dma_wait3A_368 = arith.constant 0 : i32
      %dma_wait3A_369 = tpu.memref_slice %arg3[%add3A, %dma_wait3A_367, %dma_wait3A_368] : memref<32x18x128xi32, #tpu.memory_space<hbm>> -> memref<1x18x128xi32, #tpu.memory_space<hbm>>
      %dma_wait3A_370 = tpu.memref_squeeze %dma_wait3A_369 : memref<1x18x128xi32, #tpu.memory_space<hbm>> -> memref<18x128xi32, #tpu.memory_space<hbm>>
      %dma_wait3A_371 = arith.constant 0 : i32
      %dma_wait3A_372 = arith.constant 0 : i32
      %dma_wait3A_373 = tpu.memref_slice %arg3[%add3A, %dma_wait3A_371, %dma_wait3A_372] : memref<32x18x128xi32, #tpu.memory_space<hbm>> -> memref<1x18x128xi32, #tpu.memory_space<hbm>>
      %dma_wait3A_374 = tpu.memref_squeeze %dma_wait3A_373 : memref<1x18x128xi32, #tpu.memory_space<hbm>> -> memref<18x128xi32, #tpu.memory_space<hbm>>
      tpu.wait_dma2 semaphore(%run_scoped3A : memref<!tpu.dma_semaphore, #tpu.memory_space<semaphore_mem>>) src(%dma_wait3A_374 : memref<18x128xi32, #tpu.memory_space<hbm>>) dst(%arg6 : memref<18x128xi32, #tpu.memory_space<vmem>>)
      tpu.yield
    }) : () -> ()
    %dma_start3A = arith.constant 0 : i32
    %dma_start3A_1 = arith.constant 0 : i32
    %dma_start3A_2 = arith.constant 0 : i32
    %dma_start3A_3 = tpu.memref_slice %arg5[%dma_start3A_1, %dma_start3A_2] : memref<2304x16xf32, #tpu.memory_space<vmem>> -> memref<128x16xf32, #tpu.memory_space<vmem>>
    %dma_start3A_4 = arith.constant 0 : i32
    %dma_start3A_5 = tpu.memref_slice %arg6[%dma_start3A, %dma_start3A_4] : memref<18x128xi32, #tpu.memory_space<vmem>> -> memref<1x128xi32, #tpu.memory_space<vmem>>
    %dma_start3A_6 = tpu.memref_squeeze %dma_start3A_5 : memref<1x128xi32, #tpu.memory_space<vmem>> -> memref<128xi32, #tpu.memory_space<vmem>>
    %dma_start3A_7 = arith.constant 0 : i32
    %dma_start3A_8 = arith.constant 0 : i32
    %dma_start3A_9 = tpu.memref_slice %arg4[%dma_start3A_7, %dma_start3A_8] : memref<4160x16xf32, #tpu.memory_space<hbm>> -> memref<4160x16xf32, #tpu.memory_space<hbm>>
    tpu.enqueue_indirect_dma source(%dma_start3A_3 : memref<128x16xf32, #tpu.memory_space<vmem>>) target(%dma_start3A_9 : memref<4160x16xf32, #tpu.memory_space<hbm>>) offsets(%dma_start3A_6 : memref<128xi32, #tpu.memory_space<vmem>>) semaphore(%arg7 : memref<!tpu.dma_semaphore, #tpu.memory_space<semaphore_mem>>)
    %dma_start3A_10 = arith.constant 1 : i32
    %dma_start3A_11 = arith.constant 128 : i32
    %dma_start3A_12 = arith.constant 0 : i32
    %dma_start3A_13 = tpu.memref_slice %arg5[%dma_start3A_11, %dma_start3A_12] : memref<2304x16xf32, #tpu.memory_space<vmem>> -> memref<128x16xf32, #tpu.memory_space<vmem>>
    %dma_start3A_14 = arith.constant 0 : i32
    %dma_start3A_15 = tpu.memref_slice %arg6[%dma_start3A_10, %dma_start3A_14] : memref<18x128xi32, #tpu.memory_space<vmem>> -> memref<1x128xi32, #tpu.memory_space<vmem>>
    %dma_start3A_16 = tpu.memref_squeeze %dma_start3A_15 : memref<1x128xi32, #tpu.memory_space<vmem>> -> memref<128xi32, #tpu.memory_space<vmem>>
    %dma_start3A_17 = arith.constant 0 : i32
    %dma_start3A_18 = arith.constant 0 : i32
    %dma_start3A_19 = tpu.memref_slice %arg4[%dma_start3A_17, %dma_start3A_18] : memref<4160x16xf32, #tpu.memory_space<hbm>> -> memref<4160x16xf32, #tpu.memory_space<hbm>>
    tpu.enqueue_indirect_dma source(%dma_start3A_13 : memref<128x16xf32, #tpu.memory_space<vmem>>) target(%dma_start3A_19 : memref<4160x16xf32, #tpu.memory_space<hbm>>) offsets(%dma_start3A_16 : memref<128xi32, #tpu.memory_space<vmem>>) semaphore(%arg7 : memref<!tpu.dma_semaphore, #tpu.memory_space<semaphore_mem>>)
    %dma_start3A_20 = arith.constant 2 : i32
    %dma_start3A_21 = arith.constant 256 : i32
    %dma_start3A_22 = arith.constant 0 : i32
    %dma_start3A_23 = tpu.memref_slice %arg5[%dma_start3A_21, %dma_start3A_22] : memref<2304x16xf32, #tpu.memory_space<vmem>> -> memref<128x16xf32, #tpu.memory_space<vmem>>
    %dma_start3A_24 = arith.constant 0 : i32
    %dma_start3A_25 = tpu.memref_slice %arg6[%dma_start3A_20, %dma_start3A_24] : memref<18x128xi32, #tpu.memory_space<vmem>> -> memref<1x128xi32, #tpu.memory_space<vmem>>
    %dma_start3A_26 = tpu.memref_squeeze %dma_start3A_25 : memref<1x128xi32, #tpu.memory_space<vmem>> -> memref<128xi32, #tpu.memory_space<vmem>>
    %dma_start3A_27 = arith.constant 0 : i32
    %dma_start3A_28 = arith.constant 0 : i32
    %dma_start3A_29 = tpu.memref_slice %arg4[%dma_start3A_27, %dma_start3A_28] : memref<4160x16xf32, #tpu.memory_space<hbm>> -> memref<4160x16xf32, #tpu.memory_space<hbm>>
    tpu.enqueue_indirect_dma source(%dma_start3A_23 : memref<128x16xf32, #tpu.memory_space<vmem>>) target(%dma_start3A_29 : memref<4160x16xf32, #tpu.memory_space<hbm>>) offsets(%dma_start3A_26 : memref<128xi32, #tpu.memory_space<vmem>>) semaphore(%arg7 : memref<!tpu.dma_semaphore, #tpu.memory_space<semaphore_mem>>)
    %dma_start3A_30 = arith.constant 3 : i32
    %dma_start3A_31 = arith.constant 384 : i32
    %dma_start3A_32 = arith.constant 0 : i32
    %dma_start3A_33 = tpu.memref_slice %arg5[%dma_start3A_31, %dma_start3A_32] : memref<2304x16xf32, #tpu.memory_space<vmem>> -> memref<128x16xf32, #tpu.memory_space<vmem>>
    %dma_start3A_34 = arith.constant 0 : i32
    %dma_start3A_35 = tpu.memref_slice %arg6[%dma_start3A_30, %dma_start3A_34] : memref<18x128xi32, #tpu.memory_space<vmem>> -> memref<1x128xi32, #tpu.memory_space<vmem>>
    %dma_start3A_36 = tpu.memref_squeeze %dma_start3A_35 : memref<1x128xi32, #tpu.memory_space<vmem>> -> memref<128xi32, #tpu.memory_space<vmem>>
    %dma_start3A_37 = arith.constant 0 : i32
    %dma_start3A_38 = arith.constant 0 : i32
    %dma_start3A_39 = tpu.memref_slice %arg4[%dma_start3A_37, %dma_start3A_38] : memref<4160x16xf32, #tpu.memory_space<hbm>> -> memref<4160x16xf32, #tpu.memory_space<hbm>>
    tpu.enqueue_indirect_dma source(%dma_start3A_33 : memref<128x16xf32, #tpu.memory_space<vmem>>) target(%dma_start3A_39 : memref<4160x16xf32, #tpu.memory_space<hbm>>) offsets(%dma_start3A_36 : memref<128xi32, #tpu.memory_space<vmem>>) semaphore(%arg7 : memref<!tpu.dma_semaphore, #tpu.memory_space<semaphore_mem>>)
    %dma_start3A_40 = arith.constant 4 : i32
    %dma_start3A_41 = arith.constant 512 : i32
    %dma_start3A_42 = arith.constant 0 : i32
    %dma_start3A_43 = tpu.memref_slice %arg5[%dma_start3A_41, %dma_start3A_42] : memref<2304x16xf32, #tpu.memory_space<vmem>> -> memref<128x16xf32, #tpu.memory_space<vmem>>
    %dma_start3A_44 = arith.constant 0 : i32
    %dma_start3A_45 = tpu.memref_slice %arg6[%dma_start3A_40, %dma_start3A_44] : memref<18x128xi32, #tpu.memory_space<vmem>> -> memref<1x128xi32, #tpu.memory_space<vmem>>
    %dma_start3A_46 = tpu.memref_squeeze %dma_start3A_45 : memref<1x128xi32, #tpu.memory_space<vmem>> -> memref<128xi32, #tpu.memory_space<vmem>>
    %dma_start3A_47 = arith.constant 0 : i32
    %dma_start3A_48 = arith.constant 0 : i32
    %dma_start3A_49 = tpu.memref_slice %arg4[%dma_start3A_47, %dma_start3A_48] : memref<4160x16xf32, #tpu.memory_space<hbm>> -> memref<4160x16xf32, #tpu.memory_space<hbm>>
    tpu.enqueue_indirect_dma source(%dma_start3A_43 : memref<128x16xf32, #tpu.memory_space<vmem>>) target(%dma_start3A_49 : memref<4160x16xf32, #tpu.memory_space<hbm>>) offsets(%dma_start3A_46 : memref<128xi32, #tpu.memory_space<vmem>>) semaphore(%arg7 : memref<!tpu.dma_semaphore, #tpu.memory_space<semaphore_mem>>)
    %dma_start3A_50 = arith.constant 5 : i32
    %dma_start3A_51 = arith.constant 640 : i32
    %dma_start3A_52 = arith.constant 0 : i32
    %dma_start3A_53 = tpu.memref_slice %arg5[%dma_start3A_51, %dma_start3A_52] : memref<2304x16xf32, #tpu.memory_space<vmem>> -> memref<128x16xf32, #tpu.memory_space<vmem>>
    %dma_start3A_54 = arith.constant 0 : i32
    %dma_start3A_55 = tpu.memref_slice %arg6[%dma_start3A_50, %dma_start3A_54] : memref<18x128xi32, #tpu.memory_space<vmem>> -> memref<1x128xi32, #tpu.memory_space<vmem>>
    %dma_start3A_56 = tpu.memref_squeeze %dma_start3A_55 : memref<1x128xi32, #tpu.memory_space<vmem>> -> memref<128xi32, #tpu.memory_space<vmem>>
    %dma_start3A_57 = arith.constant 0 : i32
    %dma_start3A_58 = arith.constant 0 : i32
    %dma_start3A_59 = tpu.memref_slice %arg4[%dma_start3A_57, %dma_start3A_58] : memref<4160x16xf32, #tpu.memory_space<hbm>> -> memref<4160x16xf32, #tpu.memory_space<hbm>>
    tpu.enqueue_indirect_dma source(%dma_start3A_53 : memref<128x16xf32, #tpu.memory_space<vmem>>) target(%dma_start3A_59 : memref<4160x16xf32, #tpu.memory_space<hbm>>) offsets(%dma_start3A_56 : memref<128xi32, #tpu.memory_space<vmem>>) semaphore(%arg7 : memref<!tpu.dma_semaphore, #tpu.memory_space<semaphore_mem>>)
    %dma_start3A_60 = arith.constant 6 : i32
    %dma_start3A_61 = arith.constant 768 : i32
    %dma_start3A_62 = arith.constant 0 : i32
    %dma_start3A_63 = tpu.memref_slice %arg5[%dma_start3A_61, %dma_start3A_62] : memref<2304x16xf32, #tpu.memory_space<vmem>> -> memref<128x16xf32, #tpu.memory_space<vmem>>
    %dma_start3A_64 = arith.constant 0 : i32
    %dma_start3A_65 = tpu.memref_slice %arg6[%dma_start3A_60, %dma_start3A_64] : memref<18x128xi32, #tpu.memory_space<vmem>> -> memref<1x128xi32, #tpu.memory_space<vmem>>
    %dma_start3A_66 = tpu.memref_squeeze %dma_start3A_65 : memref<1x128xi32, #tpu.memory_space<vmem>> -> memref<128xi32, #tpu.memory_space<vmem>>
    %dma_start3A_67 = arith.constant 0 : i32
    %dma_start3A_68 = arith.constant 0 : i32
    %dma_start3A_69 = tpu.memref_slice %arg4[%dma_start3A_67, %dma_start3A_68] : memref<4160x16xf32, #tpu.memory_space<hbm>> -> memref<4160x16xf32, #tpu.memory_space<hbm>>
    tpu.enqueue_indirect_dma source(%dma_start3A_63 : memref<128x16xf32, #tpu.memory_space<vmem>>) target(%dma_start3A_69 : memref<4160x16xf32, #tpu.memory_space<hbm>>) offsets(%dma_start3A_66 : memref<128xi32, #tpu.memory_space<vmem>>) semaphore(%arg7 : memref<!tpu.dma_semaphore, #tpu.memory_space<semaphore_mem>>)
    %dma_start3A_70 = arith.constant 7 : i32
    %dma_start3A_71 = arith.constant 896 : i32
    %dma_start3A_72 = arith.constant 0 : i32
    %dma_start3A_73 = tpu.memref_slice %arg5[%dma_start3A_71, %dma_start3A_72] : memref<2304x16xf32, #tpu.memory_space<vmem>> -> memref<128x16xf32, #tpu.memory_space<vmem>>
    %dma_start3A_74 = arith.constant 0 : i32
    %dma_start3A_75 = tpu.memref_slice %arg6[%dma_start3A_70, %dma_start3A_74] : memref<18x128xi32, #tpu.memory_space<vmem>> -> memref<1x128xi32, #tpu.memory_space<vmem>>
    %dma_start3A_76 = tpu.memref_squeeze %dma_start3A_75 : memref<1x128xi32, #tpu.memory_space<vmem>> -> memref<128xi32, #tpu.memory_space<vmem>>
    %dma_start3A_77 = arith.constant 0 : i32
    %dma_start3A_78 = arith.constant 0 : i32
    %dma_start3A_79 = tpu.memref_slice %arg4[%dma_start3A_77, %dma_start3A_78] : memref<4160x16xf32, #tpu.memory_space<hbm>> -> memref<4160x16xf32, #tpu.memory_space<hbm>>
    tpu.enqueue_indirect_dma source(%dma_start3A_73 : memref<128x16xf32, #tpu.memory_space<vmem>>) target(%dma_start3A_79 : memref<4160x16xf32, #tpu.memory_space<hbm>>) offsets(%dma_start3A_76 : memref<128xi32, #tpu.memory_space<vmem>>) semaphore(%arg7 : memref<!tpu.dma_semaphore, #tpu.memory_space<semaphore_mem>>)
    %dma_start3A_80 = arith.constant 8 : i32
    %dma_start3A_81 = arith.constant 1024 : i32
    %dma_start3A_82 = arith.constant 0 : i32
    %dma_start3A_83 = tpu.memref_slice %arg5[%dma_start3A_81, %dma_start3A_82] : memref<2304x16xf32, #tpu.memory_space<vmem>> -> memref<128x16xf32, #tpu.memory_space<vmem>>
    %dma_start3A_84 = arith.constant 0 : i32
    %dma_start3A_85 = tpu.memref_slice %arg6[%dma_start3A_80, %dma_start3A_84] : memref<18x128xi32, #tpu.memory_space<vmem>> -> memref<1x128xi32, #tpu.memory_space<vmem>>
    %dma_start3A_86 = tpu.memref_squeeze %dma_start3A_85 : memref<1x128xi32, #tpu.memory_space<vmem>> -> memref<128xi32, #tpu.memory_space<vmem>>
    %dma_start3A_87 = arith.constant 0 : i32
    %dma_start3A_88 = arith.constant 0 : i32
    %dma_start3A_89 = tpu.memref_slice %arg4[%dma_start3A_87, %dma_start3A_88] : memref<4160x16xf32, #tpu.memory_space<hbm>> -> memref<4160x16xf32, #tpu.memory_space<hbm>>
    tpu.enqueue_indirect_dma source(%dma_start3A_83 : memref<128x16xf32, #tpu.memory_space<vmem>>) target(%dma_start3A_89 : memref<4160x16xf32, #tpu.memory_space<hbm>>) offsets(%dma_start3A_86 : memref<128xi32, #tpu.memory_space<vmem>>) semaphore(%arg7 : memref<!tpu.dma_semaphore, #tpu.memory_space<semaphore_mem>>)
    %dma_start3A_90 = arith.constant 9 : i32
    %dma_start3A_91 = arith.constant 1152 : i32
    %dma_start3A_92 = arith.constant 0 : i32
    %dma_start3A_93 = tpu.memref_slice %arg5[%dma_start3A_91, %dma_start3A_92] : memref<2304x16xf32, #tpu.memory_space<vmem>> -> memref<128x16xf32, #tpu.memory_space<vmem>>
    %dma_start3A_94 = arith.constant 0 : i32
    %dma_start3A_95 = tpu.memref_slice %arg6[%dma_start3A_90, %dma_start3A_94] : memref<18x128xi32, #tpu.memory_space<vmem>> -> memref<1x128xi32, #tpu.memory_space<vmem>>
    %dma_start3A_96 = tpu.memref_squeeze %dma_start3A_95 : memref<1x128xi32, #tpu.memory_space<vmem>> -> memref<128xi32, #tpu.memory_space<vmem>>
    %dma_start3A_97 = arith.constant 0 : i32
    %dma_start3A_98 = arith.constant 0 : i32
    %dma_start3A_99 = tpu.memref_slice %arg4[%dma_start3A_97, %dma_start3A_98] : memref<4160x16xf32, #tpu.memory_space<hbm>> -> memref<4160x16xf32, #tpu.memory_space<hbm>>
    tpu.enqueue_indirect_dma source(%dma_start3A_93 : memref<128x16xf32, #tpu.memory_space<vmem>>) target(%dma_start3A_99 : memref<4160x16xf32, #tpu.memory_space<hbm>>) offsets(%dma_start3A_96 : memref<128xi32, #tpu.memory_space<vmem>>) semaphore(%arg7 : memref<!tpu.dma_semaphore, #tpu.memory_space<semaphore_mem>>)
    %dma_start3A_100 = arith.constant 10 : i32
    %dma_start3A_101 = arith.constant 1280 : i32
    %dma_start3A_102 = arith.constant 0 : i32
    %dma_start3A_103 = tpu.memref_slice %arg5[%dma_start3A_101, %dma_start3A_102] : memref<2304x16xf32, #tpu.memory_space<vmem>> -> memref<128x16xf32, #tpu.memory_space<vmem>>
    %dma_start3A_104 = arith.constant 0 : i32
    %dma_start3A_105 = tpu.memref_slice %arg6[%dma_start3A_100, %dma_start3A_104] : memref<18x128xi32, #tpu.memory_space<vmem>> -> memref<1x128xi32, #tpu.memory_space<vmem>>
    %dma_start3A_106 = tpu.memref_squeeze %dma_start3A_105 : memref<1x128xi32, #tpu.memory_space<vmem>> -> memref<128xi32, #tpu.memory_space<vmem>>
    %dma_start3A_107 = arith.constant 0 : i32
    %dma_start3A_108 = arith.constant 0 : i32
    %dma_start3A_109 = tpu.memref_slice %arg4[%dma_start3A_107, %dma_start3A_108] : memref<4160x16xf32, #tpu.memory_space<hbm>> -> memref<4160x16xf32, #tpu.memory_space<hbm>>
    tpu.enqueue_indirect_dma source(%dma_start3A_103 : memref<128x16xf32, #tpu.memory_space<vmem>>) target(%dma_start3A_109 : memref<4160x16xf32, #tpu.memory_space<hbm>>) offsets(%dma_start3A_106 : memref<128xi32, #tpu.memory_space<vmem>>) semaphore(%arg7 : memref<!tpu.dma_semaphore, #tpu.memory_space<semaphore_mem>>)
    %dma_start3A_110 = arith.constant 11 : i32
    %dma_start3A_111 = arith.constant 1408 : i32
    %dma_start3A_112 = arith.constant 0 : i32
    %dma_start3A_113 = tpu.memref_slice %arg5[%dma_start3A_111, %dma_start3A_112] : memref<2304x16xf32, #tpu.memory_space<vmem>> -> memref<128x16xf32, #tpu.memory_space<vmem>>
    %dma_start3A_114 = arith.constant 0 : i32
    %dma_start3A_115 = tpu.memref_slice %arg6[%dma_start3A_110, %dma_start3A_114] : memref<18x128xi32, #tpu.memory_space<vmem>> -> memref<1x128xi32, #tpu.memory_space<vmem>>
    %dma_start3A_116 = tpu.memref_squeeze %dma_start3A_115 : memref<1x128xi32, #tpu.memory_space<vmem>> -> memref<128xi32, #tpu.memory_space<vmem>>
    %dma_start3A_117 = arith.constant 0 : i32
    %dma_start3A_118 = arith.constant 0 : i32
    %dma_start3A_119 = tpu.memref_slice %arg4[%dma_start3A_117, %dma_start3A_118] : memref<4160x16xf32, #tpu.memory_space<hbm>> -> memref<4160x16xf32, #tpu.memory_space<hbm>>
    tpu.enqueue_indirect_dma source(%dma_start3A_113 : memref<128x16xf32, #tpu.memory_space<vmem>>) target(%dma_start3A_119 : memref<4160x16xf32, #tpu.memory_space<hbm>>) offsets(%dma_start3A_116 : memref<128xi32, #tpu.memory_space<vmem>>) semaphore(%arg7 : memref<!tpu.dma_semaphore, #tpu.memory_space<semaphore_mem>>)
    %dma_start3A_120 = arith.constant 12 : i32
    %dma_start3A_121 = arith.constant 1536 : i32
    %dma_start3A_122 = arith.constant 0 : i32
    %dma_start3A_123 = tpu.memref_slice %arg5[%dma_start3A_121, %dma_start3A_122] : memref<2304x16xf32, #tpu.memory_space<vmem>> -> memref<128x16xf32, #tpu.memory_space<vmem>>
    %dma_start3A_124 = arith.constant 0 : i32
    %dma_start3A_125 = tpu.memref_slice %arg6[%dma_start3A_120, %dma_start3A_124] : memref<18x128xi32, #tpu.memory_space<vmem>> -> memref<1x128xi32, #tpu.memory_space<vmem>>
    %dma_start3A_126 = tpu.memref_squeeze %dma_start3A_125 : memref<1x128xi32, #tpu.memory_space<vmem>> -> memref<128xi32, #tpu.memory_space<vmem>>
    %dma_start3A_127 = arith.constant 0 : i32
    %dma_start3A_128 = arith.constant 0 : i32
    %dma_start3A_129 = tpu.memref_slice %arg4[%dma_start3A_127, %dma_start3A_128] : memref<4160x16xf32, #tpu.memory_space<hbm>> -> memref<4160x16xf32, #tpu.memory_space<hbm>>
    tpu.enqueue_indirect_dma source(%dma_start3A_123 : memref<128x16xf32, #tpu.memory_space<vmem>>) target(%dma_start3A_129 : memref<4160x16xf32, #tpu.memory_space<hbm>>) offsets(%dma_start3A_126 : memref<128xi32, #tpu.memory_space<vmem>>) semaphore(%arg7 : memref<!tpu.dma_semaphore, #tpu.memory_space<semaphore_mem>>)
    %dma_start3A_130 = arith.constant 13 : i32
    %dma_start3A_131 = arith.constant 1664 : i32
    %dma_start3A_132 = arith.constant 0 : i32
    %dma_start3A_133 = tpu.memref_slice %arg5[%dma_start3A_131, %dma_start3A_132] : memref<2304x16xf32, #tpu.memory_space<vmem>> -> memref<128x16xf32, #tpu.memory_space<vmem>>
    %dma_start3A_134 = arith.constant 0 : i32
    %dma_start3A_135 = tpu.memref_slice %arg6[%dma_start3A_130, %dma_start3A_134] : memref<18x128xi32, #tpu.memory_space<vmem>> -> memref<1x128xi32, #tpu.memory_space<vmem>>
    %dma_start3A_136 = tpu.memref_squeeze %dma_start3A_135 : memref<1x128xi32, #tpu.memory_space<vmem>> -> memref<128xi32, #tpu.memory_space<vmem>>
    %dma_start3A_137 = arith.constant 0 : i32
    %dma_start3A_138 = arith.constant 0 : i32
    %dma_start3A_139 = tpu.memref_slice %arg4[%dma_start3A_137, %dma_start3A_138] : memref<4160x16xf32, #tpu.memory_space<hbm>> -> memref<4160x16xf32, #tpu.memory_space<hbm>>
    tpu.enqueue_indirect_dma source(%dma_start3A_133 : memref<128x16xf32, #tpu.memory_space<vmem>>) target(%dma_start3A_139 : memref<4160x16xf32, #tpu.memory_space<hbm>>) offsets(%dma_start3A_136 : memref<128xi32, #tpu.memory_space<vmem>>) semaphore(%arg7 : memref<!tpu.dma_semaphore, #tpu.memory_space<semaphore_mem>>)
    %dma_start3A_140 = arith.constant 14 : i32
    %dma_start3A_141 = arith.constant 1792 : i32
    %dma_start3A_142 = arith.constant 0 : i32
    %dma_start3A_143 = tpu.memref_slice %arg5[%dma_start3A_141, %dma_start3A_142] : memref<2304x16xf32, #tpu.memory_space<vmem>> -> memref<128x16xf32, #tpu.memory_space<vmem>>
    %dma_start3A_144 = arith.constant 0 : i32
    %dma_start3A_145 = tpu.memref_slice %arg6[%dma_start3A_140, %dma_start3A_144] : memref<18x128xi32, #tpu.memory_space<vmem>> -> memref<1x128xi32, #tpu.memory_space<vmem>>
    %dma_start3A_146 = tpu.memref_squeeze %dma_start3A_145 : memref<1x128xi32, #tpu.memory_space<vmem>> -> memref<128xi32, #tpu.memory_space<vmem>>
    %dma_start3A_147 = arith.constant 0 : i32
    %dma_start3A_148 = arith.constant 0 : i32
    %dma_start3A_149 = tpu.memref_slice %arg4[%dma_start3A_147, %dma_start3A_148] : memref<4160x16xf32, #tpu.memory_space<hbm>> -> memref<4160x16xf32, #tpu.memory_space<hbm>>
    tpu.enqueue_indirect_dma source(%dma_start3A_143 : memref<128x16xf32, #tpu.memory_space<vmem>>) target(%dma_start3A_149 : memref<4160x16xf32, #tpu.memory_space<hbm>>) offsets(%dma_start3A_146 : memref<128xi32, #tpu.memory_space<vmem>>) semaphore(%arg7 : memref<!tpu.dma_semaphore, #tpu.memory_space<semaphore_mem>>)
    %dma_start3A_150 = arith.constant 15 : i32
    %dma_start3A_151 = arith.constant 1920 : i32
    %dma_start3A_152 = arith.constant 0 : i32
    %dma_start3A_153 = tpu.memref_slice %arg5[%dma_start3A_151, %dma_start3A_152] : memref<2304x16xf32, #tpu.memory_space<vmem>> -> memref<128x16xf32, #tpu.memory_space<vmem>>
    %dma_start3A_154 = arith.constant 0 : i32
    %dma_start3A_155 = tpu.memref_slice %arg6[%dma_start3A_150, %dma_start3A_154] : memref<18x128xi32, #tpu.memory_space<vmem>> -> memref<1x128xi32, #tpu.memory_space<vmem>>
    %dma_start3A_156 = tpu.memref_squeeze %dma_start3A_155 : memref<1x128xi32, #tpu.memory_space<vmem>> -> memref<128xi32, #tpu.memory_space<vmem>>
    %dma_start3A_157 = arith.constant 0 : i32
    %dma_start3A_158 = arith.constant 0 : i32
    %dma_start3A_159 = tpu.memref_slice %arg4[%dma_start3A_157, %dma_start3A_158] : memref<4160x16xf32, #tpu.memory_space<hbm>> -> memref<4160x16xf32, #tpu.memory_space<hbm>>
    tpu.enqueue_indirect_dma source(%dma_start3A_153 : memref<128x16xf32, #tpu.memory_space<vmem>>) target(%dma_start3A_159 : memref<4160x16xf32, #tpu.memory_space<hbm>>) offsets(%dma_start3A_156 : memref<128xi32, #tpu.memory_space<vmem>>) semaphore(%arg7 : memref<!tpu.dma_semaphore, #tpu.memory_space<semaphore_mem>>)
    %dma_start3A_160 = arith.constant 16 : i32
    %dma_start3A_161 = arith.constant 2048 : i32
    %dma_start3A_162 = arith.constant 0 : i32
    %dma_start3A_163 = tpu.memref_slice %arg5[%dma_start3A_161, %dma_start3A_162] : memref<2304x16xf32, #tpu.memory_space<vmem>> -> memref<128x16xf32, #tpu.memory_space<vmem>>
    %dma_start3A_164 = arith.constant 0 : i32
    %dma_start3A_165 = tpu.memref_slice %arg6[%dma_start3A_160, %dma_start3A_164] : memref<18x128xi32, #tpu.memory_space<vmem>> -> memref<1x128xi32, #tpu.memory_space<vmem>>
    %dma_start3A_166 = tpu.memref_squeeze %dma_start3A_165 : memref<1x128xi32, #tpu.memory_space<vmem>> -> memref<128xi32, #tpu.memory_space<vmem>>
    %dma_start3A_167 = arith.constant 0 : i32
    %dma_start3A_168 = arith.constant 0 : i32
    %dma_start3A_169 = tpu.memref_slice %arg4[%dma_start3A_167, %dma_start3A_168] : memref<4160x16xf32, #tpu.memory_space<hbm>> -> memref<4160x16xf32, #tpu.memory_space<hbm>>
    tpu.enqueue_indirect_dma source(%dma_start3A_163 : memref<128x16xf32, #tpu.memory_space<vmem>>) target(%dma_start3A_169 : memref<4160x16xf32, #tpu.memory_space<hbm>>) offsets(%dma_start3A_166 : memref<128xi32, #tpu.memory_space<vmem>>) semaphore(%arg7 : memref<!tpu.dma_semaphore, #tpu.memory_space<semaphore_mem>>)
    %dma_start3A_170 = arith.constant 17 : i32
    %dma_start3A_171 = arith.constant 2176 : i32
    %dma_start3A_172 = arith.constant 0 : i32
    %dma_start3A_173 = tpu.memref_slice %arg5[%dma_start3A_171, %dma_start3A_172] : memref<2304x16xf32, #tpu.memory_space<vmem>> -> memref<128x16xf32, #tpu.memory_space<vmem>>
    %dma_start3A_174 = arith.constant 0 : i32
    %dma_start3A_175 = tpu.memref_slice %arg6[%dma_start3A_170, %dma_start3A_174] : memref<18x128xi32, #tpu.memory_space<vmem>> -> memref<1x128xi32, #tpu.memory_space<vmem>>
    %dma_start3A_176 = tpu.memref_squeeze %dma_start3A_175 : memref<1x128xi32, #tpu.memory_space<vmem>> -> memref<128xi32, #tpu.memory_space<vmem>>
    %dma_start3A_177 = arith.constant 0 : i32
    %dma_start3A_178 = arith.constant 0 : i32
    %dma_start3A_179 = tpu.memref_slice %arg4[%dma_start3A_177, %dma_start3A_178] : memref<4160x16xf32, #tpu.memory_space<hbm>> -> memref<4160x16xf32, #tpu.memory_space<hbm>>
    tpu.enqueue_indirect_dma source(%dma_start3A_173 : memref<128x16xf32, #tpu.memory_space<vmem>>) target(%dma_start3A_179 : memref<4160x16xf32, #tpu.memory_space<hbm>>) offsets(%dma_start3A_176 : memref<128xi32, #tpu.memory_space<vmem>>) semaphore(%arg7 : memref<!tpu.dma_semaphore, #tpu.memory_space<semaphore_mem>>)
    %dma_wait3A = arith.constant 0 : i32
    %dma_wait3A_180 = arith.constant 0 : i32
    %dma_wait3A_181 = arith.constant 0 : i32
    %dma_wait3A_182 = tpu.memref_slice %arg5[%dma_wait3A_180, %dma_wait3A_181] : memref<2304x16xf32, #tpu.memory_space<vmem>> -> memref<128x16xf32, #tpu.memory_space<vmem>>
    %dma_wait3A_183 = arith.constant 0 : i32
    %dma_wait3A_184 = tpu.memref_slice %arg6[%dma_wait3A, %dma_wait3A_183] : memref<18x128xi32, #tpu.memory_space<vmem>> -> memref<1x128xi32, #tpu.memory_space<vmem>>
    %dma_wait3A_185 = tpu.memref_squeeze %dma_wait3A_184 : memref<1x128xi32, #tpu.memory_space<vmem>> -> memref<128xi32, #tpu.memory_space<vmem>>
    %dma_wait3A_186 = arith.constant 0 : i32
    %dma_wait3A_187 = arith.constant 0 : i32
    %dma_wait3A_188 = tpu.memref_slice %arg4[%dma_wait3A_186, %dma_wait3A_187] : memref<4160x16xf32, #tpu.memory_space<hbm>> -> memref<4160x16xf32, #tpu.memory_space<hbm>>
    tpu.wait_indirect_dma semaphore(%arg7 : memref<!tpu.dma_semaphore, #tpu.memory_space<semaphore_mem>>) src(%dma_wait3A_182 : memref<128x16xf32, #tpu.memory_space<vmem>>) dst(%dma_wait3A_188 : memref<4160x16xf32, #tpu.memory_space<hbm>>)
    %dma_wait3A_189 = arith.constant 1 : i32
    %dma_wait3A_190 = arith.constant 128 : i32
    %dma_wait3A_191 = arith.constant 0 : i32
    %dma_wait3A_192 = tpu.memref_slice %arg5[%dma_wait3A_190, %dma_wait3A_191] : memref<2304x16xf32, #tpu.memory_space<vmem>> -> memref<128x16xf32, #tpu.memory_space<vmem>>
    %dma_wait3A_193 = arith.constant 0 : i32
    %dma_wait3A_194 = tpu.memref_slice %arg6[%dma_wait3A_189, %dma_wait3A_193] : memref<18x128xi32, #tpu.memory_space<vmem>> -> memref<1x128xi32, #tpu.memory_space<vmem>>
    %dma_wait3A_195 = tpu.memref_squeeze %dma_wait3A_194 : memref<1x128xi32, #tpu.memory_space<vmem>> -> memref<128xi32, #tpu.memory_space<vmem>>
    %dma_wait3A_196 = arith.constant 0 : i32
    %dma_wait3A_197 = arith.constant 0 : i32
    %dma_wait3A_198 = tpu.memref_slice %arg4[%dma_wait3A_196, %dma_wait3A_197] : memref<4160x16xf32, #tpu.memory_space<hbm>> -> memref<4160x16xf32, #tpu.memory_space<hbm>>
    tpu.wait_indirect_dma semaphore(%arg7 : memref<!tpu.dma_semaphore, #tpu.memory_space<semaphore_mem>>) src(%dma_wait3A_192 : memref<128x16xf32, #tpu.memory_space<vmem>>) dst(%dma_wait3A_198 : memref<4160x16xf32, #tpu.memory_space<hbm>>)
    %dma_wait3A_199 = arith.constant 2 : i32
    %dma_wait3A_200 = arith.constant 256 : i32
    %dma_wait3A_201 = arith.constant 0 : i32
    %dma_wait3A_202 = tpu.memref_slice %arg5[%dma_wait3A_200, %dma_wait3A_201] : memref<2304x16xf32, #tpu.memory_space<vmem>> -> memref<128x16xf32, #tpu.memory_space<vmem>>
    %dma_wait3A_203 = arith.constant 0 : i32
    %dma_wait3A_204 = tpu.memref_slice %arg6[%dma_wait3A_199, %dma_wait3A_203] : memref<18x128xi32, #tpu.memory_space<vmem>> -> memref<1x128xi32, #tpu.memory_space<vmem>>
    %dma_wait3A_205 = tpu.memref_squeeze %dma_wait3A_204 : memref<1x128xi32, #tpu.memory_space<vmem>> -> memref<128xi32, #tpu.memory_space<vmem>>
    %dma_wait3A_206 = arith.constant 0 : i32
    %dma_wait3A_207 = arith.constant 0 : i32
    %dma_wait3A_208 = tpu.memref_slice %arg4[%dma_wait3A_206, %dma_wait3A_207] : memref<4160x16xf32, #tpu.memory_space<hbm>> -> memref<4160x16xf32, #tpu.memory_space<hbm>>
    tpu.wait_indirect_dma semaphore(%arg7 : memref<!tpu.dma_semaphore, #tpu.memory_space<semaphore_mem>>) src(%dma_wait3A_202 : memref<128x16xf32, #tpu.memory_space<vmem>>) dst(%dma_wait3A_208 : memref<4160x16xf32, #tpu.memory_space<hbm>>)
    %dma_wait3A_209 = arith.constant 3 : i32
    %dma_wait3A_210 = arith.constant 384 : i32
    %dma_wait3A_211 = arith.constant 0 : i32
    %dma_wait3A_212 = tpu.memref_slice %arg5[%dma_wait3A_210, %dma_wait3A_211] : memref<2304x16xf32, #tpu.memory_space<vmem>> -> memref<128x16xf32, #tpu.memory_space<vmem>>
    %dma_wait3A_213 = arith.constant 0 : i32
    %dma_wait3A_214 = tpu.memref_slice %arg6[%dma_wait3A_209, %dma_wait3A_213] : memref<18x128xi32, #tpu.memory_space<vmem>> -> memref<1x128xi32, #tpu.memory_space<vmem>>
    %dma_wait3A_215 = tpu.memref_squeeze %dma_wait3A_214 : memref<1x128xi32, #tpu.memory_space<vmem>> -> memref<128xi32, #tpu.memory_space<vmem>>
    %dma_wait3A_216 = arith.constant 0 : i32
    %dma_wait3A_217 = arith.constant 0 : i32
    %dma_wait3A_218 = tpu.memref_slice %arg4[%dma_wait3A_216, %dma_wait3A_217] : memref<4160x16xf32, #tpu.memory_space<hbm>> -> memref<4160x16xf32, #tpu.memory_space<hbm>>
    tpu.wait_indirect_dma semaphore(%arg7 : memref<!tpu.dma_semaphore, #tpu.memory_space<semaphore_mem>>) src(%dma_wait3A_212 : memref<128x16xf32, #tpu.memory_space<vmem>>) dst(%dma_wait3A_218 : memref<4160x16xf32, #tpu.memory_space<hbm>>)
    %dma_wait3A_219 = arith.constant 4 : i32
    %dma_wait3A_220 = arith.constant 512 : i32
    %dma_wait3A_221 = arith.constant 0 : i32
    %dma_wait3A_222 = tpu.memref_slice %arg5[%dma_wait3A_220, %dma_wait3A_221] : memref<2304x16xf32, #tpu.memory_space<vmem>> -> memref<128x16xf32, #tpu.memory_space<vmem>>
    %dma_wait3A_223 = arith.constant 0 : i32
    %dma_wait3A_224 = tpu.memref_slice %arg6[%dma_wait3A_219, %dma_wait3A_223] : memref<18x128xi32, #tpu.memory_space<vmem>> -> memref<1x128xi32, #tpu.memory_space<vmem>>
    %dma_wait3A_225 = tpu.memref_squeeze %dma_wait3A_224 : memref<1x128xi32, #tpu.memory_space<vmem>> -> memref<128xi32, #tpu.memory_space<vmem>>
    %dma_wait3A_226 = arith.constant 0 : i32
    %dma_wait3A_227 = arith.constant 0 : i32
    %dma_wait3A_228 = tpu.memref_slice %arg4[%dma_wait3A_226, %dma_wait3A_227] : memref<4160x16xf32, #tpu.memory_space<hbm>> -> memref<4160x16xf32, #tpu.memory_space<hbm>>
    tpu.wait_indirect_dma semaphore(%arg7 : memref<!tpu.dma_semaphore, #tpu.memory_space<semaphore_mem>>) src(%dma_wait3A_222 : memref<128x16xf32, #tpu.memory_space<vmem>>) dst(%dma_wait3A_228 : memref<4160x16xf32, #tpu.memory_space<hbm>>)
    %dma_wait3A_229 = arith.constant 5 : i32
    %dma_wait3A_230 = arith.constant 640 : i32
    %dma_wait3A_231 = arith.constant 0 : i32
    %dma_wait3A_232 = tpu.memref_slice %arg5[%dma_wait3A_230, %dma_wait3A_231] : memref<2304x16xf32, #tpu.memory_space<vmem>> -> memref<128x16xf32, #tpu.memory_space<vmem>>
    %dma_wait3A_233 = arith.constant 0 : i32
    %dma_wait3A_234 = tpu.memref_slice %arg6[%dma_wait3A_229, %dma_wait3A_233] : memref<18x128xi32, #tpu.memory_space<vmem>> -> memref<1x128xi32, #tpu.memory_space<vmem>>
    %dma_wait3A_235 = tpu.memref_squeeze %dma_wait3A_234 : memref<1x128xi32, #tpu.memory_space<vmem>> -> memref<128xi32, #tpu.memory_space<vmem>>
    %dma_wait3A_236 = arith.constant 0 : i32
    %dma_wait3A_237 = arith.constant 0 : i32
    %dma_wait3A_238 = tpu.memref_slice %arg4[%dma_wait3A_236, %dma_wait3A_237] : memref<4160x16xf32, #tpu.memory_space<hbm>> -> memref<4160x16xf32, #tpu.memory_space<hbm>>
    tpu.wait_indirect_dma semaphore(%arg7 : memref<!tpu.dma_semaphore, #tpu.memory_space<semaphore_mem>>) src(%dma_wait3A_232 : memref<128x16xf32, #tpu.memory_space<vmem>>) dst(%dma_wait3A_238 : memref<4160x16xf32, #tpu.memory_space<hbm>>)
    %dma_wait3A_239 = arith.constant 6 : i32
    %dma_wait3A_240 = arith.constant 768 : i32
    %dma_wait3A_241 = arith.constant 0 : i32
    %dma_wait3A_242 = tpu.memref_slice %arg5[%dma_wait3A_240, %dma_wait3A_241] : memref<2304x16xf32, #tpu.memory_space<vmem>> -> memref<128x16xf32, #tpu.memory_space<vmem>>
    %dma_wait3A_243 = arith.constant 0 : i32
    %dma_wait3A_244 = tpu.memref_slice %arg6[%dma_wait3A_239, %dma_wait3A_243] : memref<18x128xi32, #tpu.memory_space<vmem>> -> memref<1x128xi32, #tpu.memory_space<vmem>>
    %dma_wait3A_245 = tpu.memref_squeeze %dma_wait3A_244 : memref<1x128xi32, #tpu.memory_space<vmem>> -> memref<128xi32, #tpu.memory_space<vmem>>
    %dma_wait3A_246 = arith.constant 0 : i32
    %dma_wait3A_247 = arith.constant 0 : i32
    %dma_wait3A_248 = tpu.memref_slice %arg4[%dma_wait3A_246, %dma_wait3A_247] : memref<4160x16xf32, #tpu.memory_space<hbm>> -> memref<4160x16xf32, #tpu.memory_space<hbm>>
    tpu.wait_indirect_dma semaphore(%arg7 : memref<!tpu.dma_semaphore, #tpu.memory_space<semaphore_mem>>) src(%dma_wait3A_242 : memref<128x16xf32, #tpu.memory_space<vmem>>) dst(%dma_wait3A_248 : memref<4160x16xf32, #tpu.memory_space<hbm>>)
    %dma_wait3A_249 = arith.constant 7 : i32
    %dma_wait3A_250 = arith.constant 896 : i32
    %dma_wait3A_251 = arith.constant 0 : i32
    %dma_wait3A_252 = tpu.memref_slice %arg5[%dma_wait3A_250, %dma_wait3A_251] : memref<2304x16xf32, #tpu.memory_space<vmem>> -> memref<128x16xf32, #tpu.memory_space<vmem>>
    %dma_wait3A_253 = arith.constant 0 : i32
    %dma_wait3A_254 = tpu.memref_slice %arg6[%dma_wait3A_249, %dma_wait3A_253] : memref<18x128xi32, #tpu.memory_space<vmem>> -> memref<1x128xi32, #tpu.memory_space<vmem>>
    %dma_wait3A_255 = tpu.memref_squeeze %dma_wait3A_254 : memref<1x128xi32, #tpu.memory_space<vmem>> -> memref<128xi32, #tpu.memory_space<vmem>>
    %dma_wait3A_256 = arith.constant 0 : i32
    %dma_wait3A_257 = arith.constant 0 : i32
    %dma_wait3A_258 = tpu.memref_slice %arg4[%dma_wait3A_256, %dma_wait3A_257] : memref<4160x16xf32, #tpu.memory_space<hbm>> -> memref<4160x16xf32, #tpu.memory_space<hbm>>
    tpu.wait_indirect_dma semaphore(%arg7 : memref<!tpu.dma_semaphore, #tpu.memory_space<semaphore_mem>>) src(%dma_wait3A_252 : memref<128x16xf32, #tpu.memory_space<vmem>>) dst(%dma_wait3A_258 : memref<4160x16xf32, #tpu.memory_space<hbm>>)
    %dma_wait3A_259 = arith.constant 8 : i32
    %dma_wait3A_260 = arith.constant 1024 : i32
    %dma_wait3A_261 = arith.constant 0 : i32
    %dma_wait3A_262 = tpu.memref_slice %arg5[%dma_wait3A_260, %dma_wait3A_261] : memref<2304x16xf32, #tpu.memory_space<vmem>> -> memref<128x16xf32, #tpu.memory_space<vmem>>
    %dma_wait3A_263 = arith.constant 0 : i32
    %dma_wait3A_264 = tpu.memref_slice %arg6[%dma_wait3A_259, %dma_wait3A_263] : memref<18x128xi32, #tpu.memory_space<vmem>> -> memref<1x128xi32, #tpu.memory_space<vmem>>
    %dma_wait3A_265 = tpu.memref_squeeze %dma_wait3A_264 : memref<1x128xi32, #tpu.memory_space<vmem>> -> memref<128xi32, #tpu.memory_space<vmem>>
    %dma_wait3A_266 = arith.constant 0 : i32
    %dma_wait3A_267 = arith.constant 0 : i32
    %dma_wait3A_268 = tpu.memref_slice %arg4[%dma_wait3A_266, %dma_wait3A_267] : memref<4160x16xf32, #tpu.memory_space<hbm>> -> memref<4160x16xf32, #tpu.memory_space<hbm>>
    tpu.wait_indirect_dma semaphore(%arg7 : memref<!tpu.dma_semaphore, #tpu.memory_space<semaphore_mem>>) src(%dma_wait3A_262 : memref<128x16xf32, #tpu.memory_space<vmem>>) dst(%dma_wait3A_268 : memref<4160x16xf32, #tpu.memory_space<hbm>>)
    %dma_wait3A_269 = arith.constant 9 : i32
    %dma_wait3A_270 = arith.constant 1152 : i32
    %dma_wait3A_271 = arith.constant 0 : i32
    %dma_wait3A_272 = tpu.memref_slice %arg5[%dma_wait3A_270, %dma_wait3A_271] : memref<2304x16xf32, #tpu.memory_space<vmem>> -> memref<128x16xf32, #tpu.memory_space<vmem>>
    %dma_wait3A_273 = arith.constant 0 : i32
    %dma_wait3A_274 = tpu.memref_slice %arg6[%dma_wait3A_269, %dma_wait3A_273] : memref<18x128xi32, #tpu.memory_space<vmem>> -> memref<1x128xi32, #tpu.memory_space<vmem>>
    %dma_wait3A_275 = tpu.memref_squeeze %dma_wait3A_274 : memref<1x128xi32, #tpu.memory_space<vmem>> -> memref<128xi32, #tpu.memory_space<vmem>>
    %dma_wait3A_276 = arith.constant 0 : i32
    %dma_wait3A_277 = arith.constant 0 : i32
    %dma_wait3A_278 = tpu.memref_slice %arg4[%dma_wait3A_276, %dma_wait3A_277] : memref<4160x16xf32, #tpu.memory_space<hbm>> -> memref<4160x16xf32, #tpu.memory_space<hbm>>
    tpu.wait_indirect_dma semaphore(%arg7 : memref<!tpu.dma_semaphore, #tpu.memory_space<semaphore_mem>>) src(%dma_wait3A_272 : memref<128x16xf32, #tpu.memory_space<vmem>>) dst(%dma_wait3A_278 : memref<4160x16xf32, #tpu.memory_space<hbm>>)
    %dma_wait3A_279 = arith.constant 10 : i32
    %dma_wait3A_280 = arith.constant 1280 : i32
    %dma_wait3A_281 = arith.constant 0 : i32
    %dma_wait3A_282 = tpu.memref_slice %arg5[%dma_wait3A_280, %dma_wait3A_281] : memref<2304x16xf32, #tpu.memory_space<vmem>> -> memref<128x16xf32, #tpu.memory_space<vmem>>
    %dma_wait3A_283 = arith.constant 0 : i32
    %dma_wait3A_284 = tpu.memref_slice %arg6[%dma_wait3A_279, %dma_wait3A_283] : memref<18x128xi32, #tpu.memory_space<vmem>> -> memref<1x128xi32, #tpu.memory_space<vmem>>
    %dma_wait3A_285 = tpu.memref_squeeze %dma_wait3A_284 : memref<1x128xi32, #tpu.memory_space<vmem>> -> memref<128xi32, #tpu.memory_space<vmem>>
    %dma_wait3A_286 = arith.constant 0 : i32
    %dma_wait3A_287 = arith.constant 0 : i32
    %dma_wait3A_288 = tpu.memref_slice %arg4[%dma_wait3A_286, %dma_wait3A_287] : memref<4160x16xf32, #tpu.memory_space<hbm>> -> memref<4160x16xf32, #tpu.memory_space<hbm>>
    tpu.wait_indirect_dma semaphore(%arg7 : memref<!tpu.dma_semaphore, #tpu.memory_space<semaphore_mem>>) src(%dma_wait3A_282 : memref<128x16xf32, #tpu.memory_space<vmem>>) dst(%dma_wait3A_288 : memref<4160x16xf32, #tpu.memory_space<hbm>>)
    %dma_wait3A_289 = arith.constant 11 : i32
    %dma_wait3A_290 = arith.constant 1408 : i32
    %dma_wait3A_291 = arith.constant 0 : i32
    %dma_wait3A_292 = tpu.memref_slice %arg5[%dma_wait3A_290, %dma_wait3A_291] : memref<2304x16xf32, #tpu.memory_space<vmem>> -> memref<128x16xf32, #tpu.memory_space<vmem>>
    %dma_wait3A_293 = arith.constant 0 : i32
    %dma_wait3A_294 = tpu.memref_slice %arg6[%dma_wait3A_289, %dma_wait3A_293] : memref<18x128xi32, #tpu.memory_space<vmem>> -> memref<1x128xi32, #tpu.memory_space<vmem>>
    %dma_wait3A_295 = tpu.memref_squeeze %dma_wait3A_294 : memref<1x128xi32, #tpu.memory_space<vmem>> -> memref<128xi32, #tpu.memory_space<vmem>>
    %dma_wait3A_296 = arith.constant 0 : i32
    %dma_wait3A_297 = arith.constant 0 : i32
    %dma_wait3A_298 = tpu.memref_slice %arg4[%dma_wait3A_296, %dma_wait3A_297] : memref<4160x16xf32, #tpu.memory_space<hbm>> -> memref<4160x16xf32, #tpu.memory_space<hbm>>
    tpu.wait_indirect_dma semaphore(%arg7 : memref<!tpu.dma_semaphore, #tpu.memory_space<semaphore_mem>>) src(%dma_wait3A_292 : memref<128x16xf32, #tpu.memory_space<vmem>>) dst(%dma_wait3A_298 : memref<4160x16xf32, #tpu.memory_space<hbm>>)
    %dma_wait3A_299 = arith.constant 12 : i32
    %dma_wait3A_300 = arith.constant 1536 : i32
    %dma_wait3A_301 = arith.constant 0 : i32
    %dma_wait3A_302 = tpu.memref_slice %arg5[%dma_wait3A_300, %dma_wait3A_301] : memref<2304x16xf32, #tpu.memory_space<vmem>> -> memref<128x16xf32, #tpu.memory_space<vmem>>
    %dma_wait3A_303 = arith.constant 0 : i32
    %dma_wait3A_304 = tpu.memref_slice %arg6[%dma_wait3A_299, %dma_wait3A_303] : memref<18x128xi32, #tpu.memory_space<vmem>> -> memref<1x128xi32, #tpu.memory_space<vmem>>
    %dma_wait3A_305 = tpu.memref_squeeze %dma_wait3A_304 : memref<1x128xi32, #tpu.memory_space<vmem>> -> memref<128xi32, #tpu.memory_space<vmem>>
    %dma_wait3A_306 = arith.constant 0 : i32
    %dma_wait3A_307 = arith.constant 0 : i32
    %dma_wait3A_308 = tpu.memref_slice %arg4[%dma_wait3A_306, %dma_wait3A_307] : memref<4160x16xf32, #tpu.memory_space<hbm>> -> memref<4160x16xf32, #tpu.memory_space<hbm>>
    tpu.wait_indirect_dma semaphore(%arg7 : memref<!tpu.dma_semaphore, #tpu.memory_space<semaphore_mem>>) src(%dma_wait3A_302 : memref<128x16xf32, #tpu.memory_space<vmem>>) dst(%dma_wait3A_308 : memref<4160x16xf32, #tpu.memory_space<hbm>>)
    %dma_wait3A_309 = arith.constant 13 : i32
    %dma_wait3A_310 = arith.constant 1664 : i32
    %dma_wait3A_311 = arith.constant 0 : i32
    %dma_wait3A_312 = tpu.memref_slice %arg5[%dma_wait3A_310, %dma_wait3A_311] : memref<2304x16xf32, #tpu.memory_space<vmem>> -> memref<128x16xf32, #tpu.memory_space<vmem>>
    %dma_wait3A_313 = arith.constant 0 : i32
    %dma_wait3A_314 = tpu.memref_slice %arg6[%dma_wait3A_309, %dma_wait3A_313] : memref<18x128xi32, #tpu.memory_space<vmem>> -> memref<1x128xi32, #tpu.memory_space<vmem>>
    %dma_wait3A_315 = tpu.memref_squeeze %dma_wait3A_314 : memref<1x128xi32, #tpu.memory_space<vmem>> -> memref<128xi32, #tpu.memory_space<vmem>>
    %dma_wait3A_316 = arith.constant 0 : i32
    %dma_wait3A_317 = arith.constant 0 : i32
    %dma_wait3A_318 = tpu.memref_slice %arg4[%dma_wait3A_316, %dma_wait3A_317] : memref<4160x16xf32, #tpu.memory_space<hbm>> -> memref<4160x16xf32, #tpu.memory_space<hbm>>
    tpu.wait_indirect_dma semaphore(%arg7 : memref<!tpu.dma_semaphore, #tpu.memory_space<semaphore_mem>>) src(%dma_wait3A_312 : memref<128x16xf32, #tpu.memory_space<vmem>>) dst(%dma_wait3A_318 : memref<4160x16xf32, #tpu.memory_space<hbm>>)
    %dma_wait3A_319 = arith.constant 14 : i32
    %dma_wait3A_320 = arith.constant 1792 : i32
    %dma_wait3A_321 = arith.constant 0 : i32
    %dma_wait3A_322 = tpu.memref_slice %arg5[%dma_wait3A_320, %dma_wait3A_321] : memref<2304x16xf32, #tpu.memory_space<vmem>> -> memref<128x16xf32, #tpu.memory_space<vmem>>
    %dma_wait3A_323 = arith.constant 0 : i32
    %dma_wait3A_324 = tpu.memref_slice %arg6[%dma_wait3A_319, %dma_wait3A_323] : memref<18x128xi32, #tpu.memory_space<vmem>> -> memref<1x128xi32, #tpu.memory_space<vmem>>
    %dma_wait3A_325 = tpu.memref_squeeze %dma_wait3A_324 : memref<1x128xi32, #tpu.memory_space<vmem>> -> memref<128xi32, #tpu.memory_space<vmem>>
    %dma_wait3A_326 = arith.constant 0 : i32
    %dma_wait3A_327 = arith.constant 0 : i32
    %dma_wait3A_328 = tpu.memref_slice %arg4[%dma_wait3A_326, %dma_wait3A_327] : memref<4160x16xf32, #tpu.memory_space<hbm>> -> memref<4160x16xf32, #tpu.memory_space<hbm>>
    tpu.wait_indirect_dma semaphore(%arg7 : memref<!tpu.dma_semaphore, #tpu.memory_space<semaphore_mem>>) src(%dma_wait3A_322 : memref<128x16xf32, #tpu.memory_space<vmem>>) dst(%dma_wait3A_328 : memref<4160x16xf32, #tpu.memory_space<hbm>>)
    %dma_wait3A_329 = arith.constant 15 : i32
    %dma_wait3A_330 = arith.constant 1920 : i32
    %dma_wait3A_331 = arith.constant 0 : i32
    %dma_wait3A_332 = tpu.memref_slice %arg5[%dma_wait3A_330, %dma_wait3A_331] : memref<2304x16xf32, #tpu.memory_space<vmem>> -> memref<128x16xf32, #tpu.memory_space<vmem>>
    %dma_wait3A_333 = arith.constant 0 : i32
    %dma_wait3A_334 = tpu.memref_slice %arg6[%dma_wait3A_329, %dma_wait3A_333] : memref<18x128xi32, #tpu.memory_space<vmem>> -> memref<1x128xi32, #tpu.memory_space<vmem>>
    %dma_wait3A_335 = tpu.memref_squeeze %dma_wait3A_334 : memref<1x128xi32, #tpu.memory_space<vmem>> -> memref<128xi32, #tpu.memory_space<vmem>>
    %dma_wait3A_336 = arith.constant 0 : i32
    %dma_wait3A_337 = arith.constant 0 : i32
    %dma_wait3A_338 = tpu.memref_slice %arg4[%dma_wait3A_336, %dma_wait3A_337] : memref<4160x16xf32, #tpu.memory_space<hbm>> -> memref<4160x16xf32, #tpu.memory_space<hbm>>
    tpu.wait_indirect_dma semaphore(%arg7 : memref<!tpu.dma_semaphore, #tpu.memory_space<semaphore_mem>>) src(%dma_wait3A_332 : memref<128x16xf32, #tpu.memory_space<vmem>>) dst(%dma_wait3A_338 : memref<4160x16xf32, #tpu.memory_space<hbm>>)
    %dma_wait3A_339 = arith.constant 16 : i32
    %dma_wait3A_340 = arith.constant 2048 : i32
    %dma_wait3A_341 = arith.constant 0 : i32
    %dma_wait3A_342 = tpu.memref_slice %arg5[%dma_wait3A_340, %dma_wait3A_341] : memref<2304x16xf32, #tpu.memory_space<vmem>> -> memref<128x16xf32, #tpu.memory_space<vmem>>
    %dma_wait3A_343 = arith.constant 0 : i32
    %dma_wait3A_344 = tpu.memref_slice %arg6[%dma_wait3A_339, %dma_wait3A_343] : memref<18x128xi32, #tpu.memory_space<vmem>> -> memref<1x128xi32, #tpu.memory_space<vmem>>
    %dma_wait3A_345 = tpu.memref_squeeze %dma_wait3A_344 : memref<1x128xi32, #tpu.memory_space<vmem>> -> memref<128xi32, #tpu.memory_space<vmem>>
    %dma_wait3A_346 = arith.constant 0 : i32
    %dma_wait3A_347 = arith.constant 0 : i32
    %dma_wait3A_348 = tpu.memref_slice %arg4[%dma_wait3A_346, %dma_wait3A_347] : memref<4160x16xf32, #tpu.memory_space<hbm>> -> memref<4160x16xf32, #tpu.memory_space<hbm>>
    tpu.wait_indirect_dma semaphore(%arg7 : memref<!tpu.dma_semaphore, #tpu.memory_space<semaphore_mem>>) src(%dma_wait3A_342 : memref<128x16xf32, #tpu.memory_space<vmem>>) dst(%dma_wait3A_348 : memref<4160x16xf32, #tpu.memory_space<hbm>>)
    %dma_wait3A_349 = arith.constant 17 : i32
    %dma_wait3A_350 = arith.constant 2176 : i32
    %dma_wait3A_351 = arith.constant 0 : i32
    %dma_wait3A_352 = tpu.memref_slice %arg5[%dma_wait3A_350, %dma_wait3A_351] : memref<2304x16xf32, #tpu.memory_space<vmem>> -> memref<128x16xf32, #tpu.memory_space<vmem>>
    %dma_wait3A_353 = arith.constant 0 : i32
    %dma_wait3A_354 = tpu.memref_slice %arg6[%dma_wait3A_349, %dma_wait3A_353] : memref<18x128xi32, #tpu.memory_space<vmem>> -> memref<1x128xi32, #tpu.memory_space<vmem>>
    %dma_wait3A_355 = tpu.memref_squeeze %dma_wait3A_354 : memref<1x128xi32, #tpu.memory_space<vmem>> -> memref<128xi32, #tpu.memory_space<vmem>>
    %dma_wait3A_356 = arith.constant 0 : i32
    %dma_wait3A_357 = arith.constant 0 : i32
    %dma_wait3A_358 = tpu.memref_slice %arg4[%dma_wait3A_356, %dma_wait3A_357] : memref<4160x16xf32, #tpu.memory_space<hbm>> -> memref<4160x16xf32, #tpu.memory_space<hbm>>
    tpu.wait_indirect_dma semaphore(%arg7 : memref<!tpu.dma_semaphore, #tpu.memory_space<semaphore_mem>>) src(%dma_wait3A_352 : memref<128x16xf32, #tpu.memory_space<vmem>>) dst(%dma_wait3A_358 : memref<4160x16xf32, #tpu.memory_space<hbm>>)
    return
  }
}

module attributes {stable_mosaic.version = 14 : i64} {
  func.func @_head_body(%arg0: i32, %arg1: memref<1x512x1024xf32, #tpu.memory_space<vmem>>, %arg2: memref<9x512xf32, #tpu.memory_space<vmem>>, %arg3: memref<9x1xf32, #tpu.memory_space<vmem>>, %arg4: memref<36x512xf32, #tpu.memory_space<vmem>>, %arg5: memref<36x1xf32, #tpu.memory_space<vmem>>, %arg6: memref<9x1024xf32, #tpu.memory_space<vmem>>, %arg7: memref<9x1024xf32, #tpu.memory_space<vmem>>, %arg8: memref<9x1024xf32, #tpu.memory_space<vmem>>, %arg9: memref<9x1024xf32, #tpu.memory_space<vmem>>, %arg10: memref<9x1024xi32, #tpu.memory_space<vmem>>, %arg11: memref<9x1024xf32, #tpu.memory_space<vmem>>, %arg12: memref<1024x1024xf32, #tpu.memory_space<vmem>>, %arg13: memref<9x9xf32, #tpu.memory_space<vmem>>, %arg14: memref<1x9216x16xf32, #tpu.memory_space<vmem>>, %arg15: memref<1x9x1024xi32, #tpu.memory_space<vmem>>) attributes {dimension_semantics = [#tpu.dimension_semantics<parallel>], iteration_bounds = array<i64: 8>, scalar_prefetch = 0 : i64, scratch_operands = 0 : i64, tpu.core_type = #tpu.core_type<tc>, window_params = [{transform_indices = @transform_0, window_bounds = array<i64: 1, 512, 1024>}, {pipeline_mode = #tpu.pipeline_mode<synchronous>, transform_indices = @transform_1, window_bounds = array<i64: 9, 512>}, {pipeline_mode = #tpu.pipeline_mode<synchronous>, transform_indices = @transform_2, window_bounds = array<i64: 9, 1>}, {pipeline_mode = #tpu.pipeline_mode<synchronous>, transform_indices = @transform_3, window_bounds = array<i64: 36, 512>}, {pipeline_mode = #tpu.pipeline_mode<synchronous>, transform_indices = @transform_4, window_bounds = array<i64: 36, 1>}, {pipeline_mode = #tpu.pipeline_mode<synchronous>, transform_indices = @transform_5, window_bounds = array<i64: 9, 1024>}, {pipeline_mode = #tpu.pipeline_mode<synchronous>, transform_indices = @transform_6, window_bounds = array<i64: 9, 1024>}, {pipeline_mode = #tpu.pipeline_mode<synchronous>, transform_indices = @transform_7, window_bounds = array<i64: 9, 1024>}, {pipeline_mode = #tpu.pipeline_mode<synchronous>, transform_indices = @transform_8, window_bounds = array<i64: 9, 1024>}, {pipeline_mode = #tpu.pipeline_mode<synchronous>, transform_indices = @transform_9, window_bounds = array<i64: 9, 1024>}, {pipeline_mode = #tpu.pipeline_mode<synchronous>, transform_indices = @transform_10, window_bounds = array<i64: 9, 1024>}, {pipeline_mode = #tpu.pipeline_mode<synchronous>, transform_indices = @transform_11, window_bounds = array<i64: 1024, 1024>}, {pipeline_mode = #tpu.pipeline_mode<synchronous>, transform_indices = @transform_12, window_bounds = array<i64: 9, 9>}, {transform_indices = @transform_13, window_bounds = array<i64: 1, 9216, 16>}, {transform_indices = @transform_14, window_bounds = array<i64: 1, 9, 1024>}]} {
    %get3A = arith.constant 0 : index
    %get3A_0 = arith.constant 0 : index
    %get3A_1 = arith.constant 0 : index
    %get3A_2 = vector.load %arg1[%get3A, %get3A_0, %get3A_1] : memref<1x512x1024xf32, #tpu.memory_space<vmem>>, vector<1x512x1024xf32>
    %get3A_3 = vector.shape_cast %get3A_2 : vector<1x512x1024xf32> to vector<512x1024xf32>
    %get3A_4 = arith.constant 0 : index
    %get3A_5 = arith.constant 0 : index
    %get3A_6 = vector.load %arg2[%get3A_4, %get3A_5] : memref<9x512xf32, #tpu.memory_space<vmem>>, vector<9x512xf32>
    %dot_general3A = arith.constant dense<0.000000e+00> : vector<9x1024xf32>
    %dot_general3A_7 = tpu.matmul %get3A_6, %get3A_3, %dot_general3A {dimension_numbers = #tpu.dot_dimension_numbers<[1], [0], [0], [1], [0, 0, 1, 1], [], []>, transpose_lhs_hint = false} : vector<9x512xf32>, vector<512x1024xf32>, vector<9x1024xf32> -> vector<9x1024xf32>
    %get3A_8 = arith.constant 0 : index
    %get3A_9 = arith.constant 0 : index
    %get3A_10 = vector.load %arg3[%get3A_8, %get3A_9] : memref<9x1xf32, #tpu.memory_space<vmem>>, vector<9x1xf32>
    %get3A_11 = vector.shape_cast %get3A_10 : vector<9x1xf32> to vector<9xf32>
    %broadcast_in_dim3A = vector.shape_cast %get3A_11 : vector<9xf32> to vector<9x1xf32>
    %add3A = vector.broadcast %broadcast_in_dim3A : vector<9x1xf32> to vector<9x1024xf32>
    %add3A_12 = arith.addf %dot_general3A_7, %add3A : vector<9x1024xf32>
    %neg3A = arith.constant 0.000000e+00 : f32
    %neg3A_13 = vector.broadcast %neg3A : f32 to vector<9x1024xf32>
    %neg3A_14 = arith.subf %neg3A_13, %add3A_12 : vector<9x1024xf32>
    %exp3A = math.exp %neg3A_14 : vector<9x1024xf32>
    %add3A_15 = arith.constant 1.000000e+00 : f32
    %add3A_16 = vector.broadcast %add3A_15 : f32 to vector<9x1024xf32>
    %add3A_17 = arith.addf %add3A_16, %exp3A : vector<9x1024xf32>
    %div3A = arith.constant 1.000000e+00 : f32
    %div3A_18 = vector.broadcast %div3A : f32 to vector<9x1024xf32>
    %div3A_19 = arith.divf %div3A_18, %add3A_17 : vector<9x1024xf32>
    %get3A_20 = arith.constant 0 : index
    %get3A_21 = arith.constant 0 : index
    %get3A_22 = vector.load %arg4[%get3A_20, %get3A_21] : memref<36x512xf32, #tpu.memory_space<vmem>>, vector<36x512xf32>
    %dot_general3A_23 = arith.constant dense<0.000000e+00> : vector<36x1024xf32>
    %dot_general3A_24 = tpu.matmul %get3A_22, %get3A_3, %dot_general3A_23 {dimension_numbers = #tpu.dot_dimension_numbers<[1], [0], [0], [1], [0, 0, 1, 1], [], []>, transpose_lhs_hint = false} : vector<36x512xf32>, vector<512x1024xf32>, vector<36x1024xf32> -> vector<36x1024xf32>
    %get3A_25 = arith.constant 0 : index
    %get3A_26 = arith.constant 0 : index
    %get3A_27 = vector.load %arg5[%get3A_25, %get3A_26] : memref<36x1xf32, #tpu.memory_space<vmem>>, vector<36x1xf32>
    %get3A_28 = vector.shape_cast %get3A_27 : vector<36x1xf32> to vector<36xf32>
    %broadcast_in_dim3A_29 = vector.shape_cast %get3A_28 : vector<36xf32> to vector<36x1xf32>
    %add3A_30 = vector.broadcast %broadcast_in_dim3A_29 : vector<36x1xf32> to vector<36x1024xf32>
    %add3A_31 = arith.addf %dot_general3A_24, %add3A_30 : vector<36x1024xf32>
    %slice3A = vector.extract_strided_slice %add3A_31 {offsets = [0, 0], sizes = [9, 1024], strides = [1, 1]} : vector<36x1024xf32> to vector<9x1024xf32>
    %slice3A_32 = vector.extract_strided_slice %add3A_31 {offsets = [9, 0], sizes = [9, 1024], strides = [1, 1]} : vector<36x1024xf32> to vector<9x1024xf32>
    %slice3A_33 = vector.extract_strided_slice %add3A_31 {offsets = [18, 0], sizes = [9, 1024], strides = [1, 1]} : vector<36x1024xf32> to vector<9x1024xf32>
    %slice3A_34 = vector.extract_strided_slice %add3A_31 {offsets = [27, 0], sizes = [9, 1024], strides = [1, 1]} : vector<36x1024xf32> to vector<9x1024xf32>
    %get3A_35 = arith.constant 0 : index
    %get3A_36 = arith.constant 0 : index
    %get3A_37 = vector.load %arg6[%get3A_35, %get3A_36] : memref<9x1024xf32, #tpu.memory_space<vmem>>, vector<9x1024xf32>
    %get3A_38 = arith.constant 0 : index
    %get3A_39 = arith.constant 0 : index
    %get3A_40 = vector.load %arg7[%get3A_38, %get3A_39] : memref<9x1024xf32, #tpu.memory_space<vmem>>, vector<9x1024xf32>
    %get3A_41 = arith.constant 0 : index
    %get3A_42 = arith.constant 0 : index
    %get3A_43 = vector.load %arg8[%get3A_41, %get3A_42] : memref<9x1024xf32, #tpu.memory_space<vmem>>, vector<9x1024xf32>
    %get3A_44 = arith.constant 0 : index
    %get3A_45 = arith.constant 0 : index
    %get3A_46 = vector.load %arg9[%get3A_44, %get3A_45] : memref<9x1024xf32, #tpu.memory_space<vmem>>, vector<9x1024xf32>
    %mul3A = arith.mulf %slice3A, %get3A_43 : vector<9x1024xf32>
    %add3A_47 = arith.addf %get3A_37, %mul3A : vector<9x1024xf32>
    %mul3A_48 = arith.mulf %slice3A_32, %get3A_46 : vector<9x1024xf32>
    %add3A_49 = arith.addf %get3A_40, %mul3A_48 : vector<9x1024xf32>
    %jit3A = arith.constant -1.000000e+01 : f32
    %jit3A_50 = arith.constant 1.000000e+01 : f32
    %max3A = vector.broadcast %jit3A : f32 to vector<9x1024xf32>
    %max3A_51 = arith.maximumf %max3A, %slice3A_33 : vector<9x1024xf32>
    %min3A = vector.broadcast %jit3A_50 : f32 to vector<9x1024xf32>
    %min3A_52 = arith.minimumf %min3A, %max3A_51 : vector<9x1024xf32>
    %exp3A_53 = math.exp %min3A_52 : vector<9x1024xf32>
    %mul3A_54 = arith.mulf %get3A_43, %exp3A_53 : vector<9x1024xf32>
    %jit3A_55 = arith.constant -1.000000e+01 : f32
    %jit3A_56 = arith.constant 1.000000e+01 : f32
    %max3A_57 = vector.broadcast %jit3A_55 : f32 to vector<9x1024xf32>
    %max3A_58 = arith.maximumf %max3A_57, %slice3A_34 : vector<9x1024xf32>
    %min3A_59 = vector.broadcast %jit3A_56 : f32 to vector<9x1024xf32>
    %min3A_60 = arith.minimumf %min3A_59, %max3A_58 : vector<9x1024xf32>
    %exp3A_61 = math.exp %min3A_60 : vector<9x1024xf32>
    %mul3A_62 = arith.mulf %get3A_46, %exp3A_61 : vector<9x1024xf32>
    %div3A_63 = arith.constant 2.000000e+00 : f32
    %div3A_64 = vector.broadcast %div3A_63 : f32 to vector<9x1024xf32>
    %div3A_65 = arith.divf %mul3A_54, %div3A_64 : vector<9x1024xf32>
    %sub3A = arith.subf %add3A_47, %div3A_65 : vector<9x1024xf32>
    %jit3A_66 = arith.constant 0.000000e+00 : f32
    %jit3A_67 = arith.constant 5.120000e+02 : f32
    %max3A_68 = vector.broadcast %jit3A_66 : f32 to vector<9x1024xf32>
    %max3A_69 = arith.maximumf %max3A_68, %sub3A : vector<9x1024xf32>
    %min3A_70 = vector.broadcast %jit3A_67 : f32 to vector<9x1024xf32>
    %min3A_71 = arith.minimumf %min3A_70, %max3A_69 : vector<9x1024xf32>
    %div3A_72 = arith.constant 2.000000e+00 : f32
    %div3A_73 = vector.broadcast %div3A_72 : f32 to vector<9x1024xf32>
    %div3A_74 = arith.divf %mul3A_62, %div3A_73 : vector<9x1024xf32>
    %sub3A_75 = arith.subf %add3A_49, %div3A_74 : vector<9x1024xf32>
    %jit3A_76 = arith.constant 0.000000e+00 : f32
    %jit3A_77 = arith.constant 5.120000e+02 : f32
    %max3A_78 = vector.broadcast %jit3A_76 : f32 to vector<9x1024xf32>
    %max3A_79 = arith.maximumf %max3A_78, %sub3A_75 : vector<9x1024xf32>
    %min3A_80 = vector.broadcast %jit3A_77 : f32 to vector<9x1024xf32>
    %min3A_81 = arith.minimumf %min3A_80, %max3A_79 : vector<9x1024xf32>
    %div3A_82 = arith.constant 2.000000e+00 : f32
    %div3A_83 = vector.broadcast %div3A_82 : f32 to vector<9x1024xf32>
    %div3A_84 = arith.divf %mul3A_54, %div3A_83 : vector<9x1024xf32>
    %add3A_85 = arith.addf %add3A_47, %div3A_84 : vector<9x1024xf32>
    %jit3A_86 = arith.constant 0.000000e+00 : f32
    %jit3A_87 = arith.constant 5.120000e+02 : f32
    %max3A_88 = vector.broadcast %jit3A_86 : f32 to vector<9x1024xf32>
    %max3A_89 = arith.maximumf %max3A_88, %add3A_85 : vector<9x1024xf32>
    %min3A_90 = vector.broadcast %jit3A_87 : f32 to vector<9x1024xf32>
    %min3A_91 = arith.minimumf %min3A_90, %max3A_89 : vector<9x1024xf32>
    %div3A_92 = arith.constant 2.000000e+00 : f32
    %div3A_93 = vector.broadcast %div3A_92 : f32 to vector<9x1024xf32>
    %div3A_94 = arith.divf %mul3A_62, %div3A_93 : vector<9x1024xf32>
    %add3A_95 = arith.addf %add3A_49, %div3A_94 : vector<9x1024xf32>
    %jit3A_96 = arith.constant 0.000000e+00 : f32
    %jit3A_97 = arith.constant 5.120000e+02 : f32
    %max3A_98 = vector.broadcast %jit3A_96 : f32 to vector<9x1024xf32>
    %max3A_99 = arith.maximumf %max3A_98, %add3A_95 : vector<9x1024xf32>
    %min3A_100 = vector.broadcast %jit3A_97 : f32 to vector<9x1024xf32>
    %min3A_101 = arith.minimumf %min3A_100, %max3A_99 : vector<9x1024xf32>
    %bitcast_convert_type3A = tpu.bitcast %div3A_19 : vector<9x1024xf32> -> vector<9x1024xi32>
    %scan3A = arith.constant 0 : i32
    %scan3A_102 = arith.constant 2147483647 : i32
    %scan3A_103 = arith.constant 0 : i32
    %scan3A_104 = arith.constant 31 : i32
    %scan3A_105 = arith.addi %scan3A_103, %scan3A_104 : i32
    %scan3A_106 = arith.constant 1 : i32
    %scan3A_107:2 = scf.for %scan3A_292 = %scan3A_103 to %scan3A_105 step %scan3A_106 iter_args(%scan3A_293 = %scan3A, %scan3A_294 = %scan3A_102) -> (i32, i32)  : i32 {
      %sub3A_295 = arith.subi %scan3A_294, %scan3A_293 : i32
      %shift_right_arithmetic3A = arith.constant 1 : i32
      %shift_right_arithmetic3A_296 = arith.shrsi %sub3A_295, %shift_right_arithmetic3A : i32
      %add3A_297 = arith.addi %scan3A_293, %shift_right_arithmetic3A_296 : i32
      %gt3A_298 = vector.broadcast %add3A_297 : i32 to vector<9x1024xi32>
      %gt3A_299 = arith.cmpi sgt, %bitcast_convert_type3A, %gt3A_298 : vector<9x1024xi32>
      %convert_element_type3A_300 = arith.extui %gt3A_299 : vector<9x1024xi1> to vector<9x1024xi32>
      %reduce_sum3A_301 = vector.shape_cast %convert_element_type3A_300 : vector<9x1024xi32> to vector<1x9x1024xi32>
      %reduce_sum3A_302 = arith.constant dense<0> : vector<1xi32>
      %reduce_sum3A_303 = vector.multi_reduction <add>, %reduce_sum3A_301, %reduce_sum3A_302 [1, 2] : vector<1x9x1024xi32> to vector<1xi32>
      %reduce_sum3A_304 = vector.shape_cast %reduce_sum3A_303 : vector<1xi32> to vector<1x1x1xi32>
      %reduce_sum3A_305 = vector.extract %reduce_sum3A_304[0, 0, 0] : i32 from vector<1x1x1xi32>
      %lt3A_306 = arith.constant 512 : i32
      %lt3A_307 = arith.cmpi slt, %reduce_sum3A_305, %lt3A_306 : i32
      %add3A_308 = arith.constant 1 : i32
      %add3A_309 = arith.addi %add3A_297, %add3A_308 : i32
      %select_n3A_310 = arith.select %lt3A_307, %scan3A_293, %add3A_309 : i32
      %lt3A_311 = arith.constant 512 : i32
      %lt3A_312 = arith.cmpi slt, %reduce_sum3A_305, %lt3A_311 : i32
      %select_n3A_313 = arith.select %lt3A_312, %add3A_297, %scan3A_294 : i32
      scf.yield %select_n3A_310, %select_n3A_313 : i32, i32
    }
    %gt3A = vector.broadcast %scan3A_107#0 : i32 to vector<9x1024xi32>
    %gt3A_108 = arith.cmpi sgt, %bitcast_convert_type3A, %gt3A : vector<9x1024xi32>
    %convert_element_type3A = arith.extui %gt3A_108 : vector<9x1024xi1> to vector<9x1024xi32>
    %eq3A = vector.broadcast %scan3A_107#0 : i32 to vector<9x1024xi32>
    %eq3A_109 = arith.cmpi eq, %bitcast_convert_type3A, %eq3A : vector<9x1024xi32>
    %convert_element_type3A_110 = arith.extui %eq3A_109 : vector<9x1024xi1> to vector<9x1024xi32>
    %reduce_sum3A = vector.shape_cast %convert_element_type3A : vector<9x1024xi32> to vector<1x9x1024xi32>
    %reduce_sum3A_111 = arith.constant dense<0> : vector<1xi32>
    %reduce_sum3A_112 = vector.multi_reduction <add>, %reduce_sum3A, %reduce_sum3A_111 [1, 2] : vector<1x9x1024xi32> to vector<1xi32>
    %reduce_sum3A_113 = vector.shape_cast %reduce_sum3A_112 : vector<1xi32> to vector<1x1x1xi32>
    %reduce_sum3A_114 = vector.extract %reduce_sum3A_113[0, 0, 0] : i32 from vector<1x1x1xi32>
    %sub3A_115 = arith.constant 512 : i32
    %sub3A_116 = arith.subi %sub3A_115, %reduce_sum3A_114 : i32
    %get3A_117 = arith.constant 0 : index
    %get3A_118 = arith.constant 0 : index
    %get3A_119 = vector.load %arg12[%get3A_117, %get3A_118] : memref<1024x1024xf32, #tpu.memory_space<vmem>>, vector<1024x1024xf32>
    %get3A_120 = arith.constant 0 : index
    %get3A_121 = arith.constant 0 : index
    %get3A_122 = vector.load %arg13[%get3A_120, %get3A_121] : memref<9x9xf32, #tpu.memory_space<vmem>>, vector<9x9xf32>
    %convert_element_type3A_123 = arith.sitofp %convert_element_type3A_110 : vector<9x1024xi32> to vector<9x1024xf32>
    %dot_general3A_124 = arith.constant dense<0.000000e+00> : vector<9x1024xf32>
    %dot_general3A_125 = tpu.matmul %convert_element_type3A_123, %get3A_119, %dot_general3A_124 {dimension_numbers = #tpu.dot_dimension_numbers<[1], [0], [0], [1], [0, 0, 1, 1], [], []>, transpose_lhs_hint = false} : vector<9x1024xf32>, vector<1024x1024xf32>, vector<9x1024xf32> -> vector<9x1024xf32>
    %slice3A_126 = vector.extract_strided_slice %dot_general3A_125 {offsets = [0, 1023], sizes = [9, 1], strides = [1, 1]} : vector<9x1024xf32> to vector<9x1xf32>
    %dot_general3A_127 = arith.constant dense<0.000000e+00> : vector<9x1xf32>
    %dot_general3A_128 = tpu.matmul %get3A_122, %slice3A_126, %dot_general3A_127 {dimension_numbers = #tpu.dot_dimension_numbers<[1], [0], [0], [1], [0, 0, 1, 1], [], []>, precision = #tpu.contract_precision<fp32>, transpose_lhs_hint = false} : vector<9x9xf32>, vector<9x1xf32>, vector<9x1xf32> -> vector<9x1xf32>
    %add3A_129 = vector.broadcast %dot_general3A_128 : vector<9x1xf32> to vector<9x1024xf32>
    %add3A_130 = arith.addf %dot_general3A_125, %add3A_129 : vector<9x1024xf32>
    %sub3A_131 = arith.subf %add3A_130, %convert_element_type3A_123 : vector<9x1024xf32>
    %convert_element_type3A_132 = arith.fptosi %sub3A_131 : vector<9x1024xf32> to vector<9x1024xi32>
    %lt3A = vector.broadcast %sub3A_116 : i32 to vector<9x1024xi32>
    %lt3A_133 = arith.cmpi slt, %convert_element_type3A_132, %lt3A : vector<9x1024xi32>
    %convert_element_type3A_134 = arith.extui %lt3A_133 : vector<9x1024xi1> to vector<9x1024xi32>
    %mul3A_135 = arith.muli %convert_element_type3A_110, %convert_element_type3A_134 : vector<9x1024xi32>
    %add3A_136 = arith.addi %convert_element_type3A, %mul3A_135 : vector<9x1024xi32>
    %gt3A_137 = arith.constant 0 : i32
    %gt3A_138 = vector.broadcast %gt3A_137 : i32 to vector<9x1024xi32>
    %gt3A_139 = arith.cmpi sgt, %add3A_136, %gt3A_138 : vector<9x1024xi32>
    %convert_element_type3A_140 = arith.extui %gt3A_139 : vector<9x1024xi1> to vector<9x1024xi32>
    %convert_element_type3A_141 = arith.sitofp %convert_element_type3A_140 : vector<9x1024xi32> to vector<9x1024xf32>
    %dot_general3A_142 = arith.constant dense<0.000000e+00> : vector<9x1024xf32>
    %dot_general3A_143 = tpu.matmul %convert_element_type3A_141, %get3A_119, %dot_general3A_142 {dimension_numbers = #tpu.dot_dimension_numbers<[1], [0], [0], [1], [0, 0, 1, 1], [], []>, transpose_lhs_hint = false} : vector<9x1024xf32>, vector<1024x1024xf32>, vector<9x1024xf32> -> vector<9x1024xf32>
    %slice3A_144 = vector.extract_strided_slice %dot_general3A_143 {offsets = [0, 1023], sizes = [9, 1], strides = [1, 1]} : vector<9x1024xf32> to vector<9x1xf32>
    %dot_general3A_145 = arith.constant dense<0.000000e+00> : vector<9x1xf32>
    %dot_general3A_146 = tpu.matmul %get3A_122, %slice3A_144, %dot_general3A_145 {dimension_numbers = #tpu.dot_dimension_numbers<[1], [0], [0], [1], [0, 0, 1, 1], [], []>, precision = #tpu.contract_precision<fp32>, transpose_lhs_hint = false} : vector<9x9xf32>, vector<9x1xf32>, vector<9x1xf32> -> vector<9x1xf32>
    %add3A_147 = vector.broadcast %dot_general3A_146 : vector<9x1xf32> to vector<9x1024xf32>
    %add3A_148 = arith.addf %dot_general3A_143, %add3A_147 : vector<9x1024xf32>
    %sub3A_149 = arith.subf %add3A_148, %convert_element_type3A_141 : vector<9x1024xf32>
    %convert_element_type3A_150 = arith.fptosi %sub3A_149 : vector<9x1024xf32> to vector<9x1024xi32>
    %mul3A_151 = arith.constant 520 : i32
    %mul3A_152 = arith.muli %arg0, %mul3A_151 : i32
    %get3A_153 = arith.constant 0 : index
    %get3A_154 = arith.constant 0 : index
    %get3A_155 = vector.load %arg10[%get3A_153, %get3A_154] : memref<9x1024xi32, #tpu.memory_space<vmem>>, vector<9x1024xi32>
    %select_n3A = arith.select %gt3A_139, %convert_element_type3A_150, %get3A_155 : vector<9x1024xi1>, vector<9x1024xi32>
    %add3A_156 = vector.broadcast %mul3A_152 : i32 to vector<9x1024xi32>
    %add3A_157 = arith.addi %select_n3A, %add3A_156 : vector<9x1024xi32>
    %broadcast_in_dim3A_158 = arith.constant 0.000000e+00 : f32
    %broadcast_in_dim3A_159 = vector.broadcast %broadcast_in_dim3A_158 : f32 to vector<10x1024xf32>
    %get3A_160 = arith.constant 0 : index
    %get3A_161 = arith.constant 0 : index
    %get3A_162 = vector.load %arg11[%get3A_160, %get3A_161] : memref<9x1024xf32, #tpu.memory_space<vmem>>, vector<9x1024xf32>
    %slice3A_163 = vector.extract_strided_slice %div3A_19 {offsets = [0, 0], sizes = [1, 1024], strides = [1, 1]} : vector<9x1024xf32> to vector<1x1024xf32>
    %slice3A_164 = vector.extract_strided_slice %min3A_71 {offsets = [0, 0], sizes = [1, 1024], strides = [1, 1]} : vector<9x1024xf32> to vector<1x1024xf32>
    %slice3A_165 = vector.extract_strided_slice %min3A_81 {offsets = [0, 0], sizes = [1, 1024], strides = [1, 1]} : vector<9x1024xf32> to vector<1x1024xf32>
    %slice3A_166 = vector.extract_strided_slice %min3A_91 {offsets = [0, 0], sizes = [1, 1024], strides = [1, 1]} : vector<9x1024xf32> to vector<1x1024xf32>
    %slice3A_167 = vector.extract_strided_slice %min3A_101 {offsets = [0, 0], sizes = [1, 1024], strides = [1, 1]} : vector<9x1024xf32> to vector<1x1024xf32>
    %slice3A_168 = vector.extract_strided_slice %get3A_162 {offsets = [0, 0], sizes = [1, 1024], strides = [1, 1]} : vector<9x1024xf32> to vector<1x1024xf32>
    %concatenate3A = tpu.concatenate %slice3A_163, %slice3A_164, %slice3A_165, %slice3A_166, %slice3A_167, %slice3A_168, %broadcast_in_dim3A_159 in 0 : vector<1x1024xf32>, vector<1x1024xf32>, vector<1x1024xf32>, vector<1x1024xf32>, vector<1x1024xf32>, vector<1x1024xf32>, vector<10x1024xf32> -> vector<16x1024xf32>
    %transpose3A = tpu.transpose %concatenate3A, [1, 0] : vector<16x1024xf32> -> vector<1024x16xf32>
    %swap3A = arith.constant 0 : index
    %swap3A_169 = arith.constant 0 : index
    %swap3A_170 = arith.constant 0 : index
    %swap3A_171 = vector.load %arg14[%swap3A, %swap3A_169, %swap3A_170] : memref<1x9216x16xf32, #tpu.memory_space<vmem>>, vector<1x1024x16xf32>
    %swap3A_172 = vector.shape_cast %swap3A_171 : vector<1x1024x16xf32> to vector<1024x16xf32>
    %swap3A_173 = vector.shape_cast %transpose3A : vector<1024x16xf32> to vector<1x1024x16xf32>
    tpu.vector_store %arg14[%swap3A, %swap3A_169, %swap3A_170], %swap3A_173 {strides = array<i32>} : memref<1x9216x16xf32, #tpu.memory_space<vmem>>, vector<1x1024x16xf32>,
    %slice3A_174 = vector.extract_strided_slice %div3A_19 {offsets = [1, 0], sizes = [1, 1024], strides = [1, 1]} : vector<9x1024xf32> to vector<1x1024xf32>
    %slice3A_175 = vector.extract_strided_slice %min3A_71 {offsets = [1, 0], sizes = [1, 1024], strides = [1, 1]} : vector<9x1024xf32> to vector<1x1024xf32>
    %slice3A_176 = vector.extract_strided_slice %min3A_81 {offsets = [1, 0], sizes = [1, 1024], strides = [1, 1]} : vector<9x1024xf32> to vector<1x1024xf32>
    %slice3A_177 = vector.extract_strided_slice %min3A_91 {offsets = [1, 0], sizes = [1, 1024], strides = [1, 1]} : vector<9x1024xf32> to vector<1x1024xf32>
    %slice3A_178 = vector.extract_strided_slice %min3A_101 {offsets = [1, 0], sizes = [1, 1024], strides = [1, 1]} : vector<9x1024xf32> to vector<1x1024xf32>
    %slice3A_179 = vector.extract_strided_slice %get3A_162 {offsets = [1, 0], sizes = [1, 1024], strides = [1, 1]} : vector<9x1024xf32> to vector<1x1024xf32>
    %concatenate3A_180 = tpu.concatenate %slice3A_174, %slice3A_175, %slice3A_176, %slice3A_177, %slice3A_178, %slice3A_179, %broadcast_in_dim3A_159 in 0 : vector<1x1024xf32>, vector<1x1024xf32>, vector<1x1024xf32>, vector<1x1024xf32>, vector<1x1024xf32>, vector<1x1024xf32>, vector<10x1024xf32> -> vector<16x1024xf32>
    %transpose3A_181 = tpu.transpose %concatenate3A_180, [1, 0] : vector<16x1024xf32> -> vector<1024x16xf32>
    %swap3A_182 = arith.constant 0 : index
    %swap3A_183 = arith.constant 1024 : index
    %swap3A_184 = arith.constant 0 : index
    %swap3A_185 = vector.load %arg14[%swap3A_182, %swap3A_183, %swap3A_184] : memref<1x9216x16xf32, #tpu.memory_space<vmem>>, vector<1x1024x16xf32>
    %swap3A_186 = vector.shape_cast %swap3A_185 : vector<1x1024x16xf32> to vector<1024x16xf32>
    %swap3A_187 = vector.shape_cast %transpose3A_181 : vector<1024x16xf32> to vector<1x1024x16xf32>
    tpu.vector_store %arg14[%swap3A_182, %swap3A_183, %swap3A_184], %swap3A_187 {strides = array<i32>} : memref<1x9216x16xf32, #tpu.memory_space<vmem>>, vector<1x1024x16xf32>,
    %slice3A_188 = vector.extract_strided_slice %div3A_19 {offsets = [2, 0], sizes = [1, 1024], strides = [1, 1]} : vector<9x1024xf32> to vector<1x1024xf32>
    %slice3A_189 = vector.extract_strided_slice %min3A_71 {offsets = [2, 0], sizes = [1, 1024], strides = [1, 1]} : vector<9x1024xf32> to vector<1x1024xf32>
    %slice3A_190 = vector.extract_strided_slice %min3A_81 {offsets = [2, 0], sizes = [1, 1024], strides = [1, 1]} : vector<9x1024xf32> to vector<1x1024xf32>
    %slice3A_191 = vector.extract_strided_slice %min3A_91 {offsets = [2, 0], sizes = [1, 1024], strides = [1, 1]} : vector<9x1024xf32> to vector<1x1024xf32>
    %slice3A_192 = vector.extract_strided_slice %min3A_101 {offsets = [2, 0], sizes = [1, 1024], strides = [1, 1]} : vector<9x1024xf32> to vector<1x1024xf32>
    %slice3A_193 = vector.extract_strided_slice %get3A_162 {offsets = [2, 0], sizes = [1, 1024], strides = [1, 1]} : vector<9x1024xf32> to vector<1x1024xf32>
    %concatenate3A_194 = tpu.concatenate %slice3A_188, %slice3A_189, %slice3A_190, %slice3A_191, %slice3A_192, %slice3A_193, %broadcast_in_dim3A_159 in 0 : vector<1x1024xf32>, vector<1x1024xf32>, vector<1x1024xf32>, vector<1x1024xf32>, vector<1x1024xf32>, vector<1x1024xf32>, vector<10x1024xf32> -> vector<16x1024xf32>
    %transpose3A_195 = tpu.transpose %concatenate3A_194, [1, 0] : vector<16x1024xf32> -> vector<1024x16xf32>
    %swap3A_196 = arith.constant 0 : index
    %swap3A_197 = arith.constant 2048 : index
    %swap3A_198 = arith.constant 0 : index
    %swap3A_199 = vector.load %arg14[%swap3A_196, %swap3A_197, %swap3A_198] : memref<1x9216x16xf32, #tpu.memory_space<vmem>>, vector<1x1024x16xf32>
    %swap3A_200 = vector.shape_cast %swap3A_199 : vector<1x1024x16xf32> to vector<1024x16xf32>
    %swap3A_201 = vector.shape_cast %transpose3A_195 : vector<1024x16xf32> to vector<1x1024x16xf32>
    tpu.vector_store %arg14[%swap3A_196, %swap3A_197, %swap3A_198], %swap3A_201 {strides = array<i32>} : memref<1x9216x16xf32, #tpu.memory_space<vmem>>, vector<1x1024x16xf32>,
    %slice3A_202 = vector.extract_strided_slice %div3A_19 {offsets = [3, 0], sizes = [1, 1024], strides = [1, 1]} : vector<9x1024xf32> to vector<1x1024xf32>
    %slice3A_203 = vector.extract_strided_slice %min3A_71 {offsets = [3, 0], sizes = [1, 1024], strides = [1, 1]} : vector<9x1024xf32> to vector<1x1024xf32>
    %slice3A_204 = vector.extract_strided_slice %min3A_81 {offsets = [3, 0], sizes = [1, 1024], strides = [1, 1]} : vector<9x1024xf32> to vector<1x1024xf32>
    %slice3A_205 = vector.extract_strided_slice %min3A_91 {offsets = [3, 0], sizes = [1, 1024], strides = [1, 1]} : vector<9x1024xf32> to vector<1x1024xf32>
    %slice3A_206 = vector.extract_strided_slice %min3A_101 {offsets = [3, 0], sizes = [1, 1024], strides = [1, 1]} : vector<9x1024xf32> to vector<1x1024xf32>
    %slice3A_207 = vector.extract_strided_slice %get3A_162 {offsets = [3, 0], sizes = [1, 1024], strides = [1, 1]} : vector<9x1024xf32> to vector<1x1024xf32>
    %concatenate3A_208 = tpu.concatenate %slice3A_202, %slice3A_203, %slice3A_204, %slice3A_205, %slice3A_206, %slice3A_207, %broadcast_in_dim3A_159 in 0 : vector<1x1024xf32>, vector<1x1024xf32>, vector<1x1024xf32>, vector<1x1024xf32>, vector<1x1024xf32>, vector<1x1024xf32>, vector<10x1024xf32> -> vector<16x1024xf32>
    %transpose3A_209 = tpu.transpose %concatenate3A_208, [1, 0] : vector<16x1024xf32> -> vector<1024x16xf32>
    %swap3A_210 = arith.constant 0 : index
    %swap3A_211 = arith.constant 3072 : index
    %swap3A_212 = arith.constant 0 : index
    %swap3A_213 = vector.load %arg14[%swap3A_210, %swap3A_211, %swap3A_212] : memref<1x9216x16xf32, #tpu.memory_space<vmem>>, vector<1x1024x16xf32>
    %swap3A_214 = vector.shape_cast %swap3A_213 : vector<1x1024x16xf32> to vector<1024x16xf32>
    %swap3A_215 = vector.shape_cast %transpose3A_209 : vector<1024x16xf32> to vector<1x1024x16xf32>
    tpu.vector_store %arg14[%swap3A_210, %swap3A_211, %swap3A_212], %swap3A_215 {strides = array<i32>} : memref<1x9216x16xf32, #tpu.memory_space<vmem>>, vector<1x1024x16xf32>,
    %slice3A_216 = vector.extract_strided_slice %div3A_19 {offsets = [4, 0], sizes = [1, 1024], strides = [1, 1]} : vector<9x1024xf32> to vector<1x1024xf32>
    %slice3A_217 = vector.extract_strided_slice %min3A_71 {offsets = [4, 0], sizes = [1, 1024], strides = [1, 1]} : vector<9x1024xf32> to vector<1x1024xf32>
    %slice3A_218 = vector.extract_strided_slice %min3A_81 {offsets = [4, 0], sizes = [1, 1024], strides = [1, 1]} : vector<9x1024xf32> to vector<1x1024xf32>
    %slice3A_219 = vector.extract_strided_slice %min3A_91 {offsets = [4, 0], sizes = [1, 1024], strides = [1, 1]} : vector<9x1024xf32> to vector<1x1024xf32>
    %slice3A_220 = vector.extract_strided_slice %min3A_101 {offsets = [4, 0], sizes = [1, 1024], strides = [1, 1]} : vector<9x1024xf32> to vector<1x1024xf32>
    %slice3A_221 = vector.extract_strided_slice %get3A_162 {offsets = [4, 0], sizes = [1, 1024], strides = [1, 1]} : vector<9x1024xf32> to vector<1x1024xf32>
    %concatenate3A_222 = tpu.concatenate %slice3A_216, %slice3A_217, %slice3A_218, %slice3A_219, %slice3A_220, %slice3A_221, %broadcast_in_dim3A_159 in 0 : vector<1x1024xf32>, vector<1x1024xf32>, vector<1x1024xf32>, vector<1x1024xf32>, vector<1x1024xf32>, vector<1x1024xf32>, vector<10x1024xf32> -> vector<16x1024xf32>
    %transpose3A_223 = tpu.transpose %concatenate3A_222, [1, 0] : vector<16x1024xf32> -> vector<1024x16xf32>
    %swap3A_224 = arith.constant 0 : index
    %swap3A_225 = arith.constant 4096 : index
    %swap3A_226 = arith.constant 0 : index
    %swap3A_227 = vector.load %arg14[%swap3A_224, %swap3A_225, %swap3A_226] : memref<1x9216x16xf32, #tpu.memory_space<vmem>>, vector<1x1024x16xf32>
    %swap3A_228 = vector.shape_cast %swap3A_227 : vector<1x1024x16xf32> to vector<1024x16xf32>
    %swap3A_229 = vector.shape_cast %transpose3A_223 : vector<1024x16xf32> to vector<1x1024x16xf32>
    tpu.vector_store %arg14[%swap3A_224, %swap3A_225, %swap3A_226], %swap3A_229 {strides = array<i32>} : memref<1x9216x16xf32, #tpu.memory_space<vmem>>, vector<1x1024x16xf32>,
    %slice3A_230 = vector.extract_strided_slice %div3A_19 {offsets = [5, 0], sizes = [1, 1024], strides = [1, 1]} : vector<9x1024xf32> to vector<1x1024xf32>
    %slice3A_231 = vector.extract_strided_slice %min3A_71 {offsets = [5, 0], sizes = [1, 1024], strides = [1, 1]} : vector<9x1024xf32> to vector<1x1024xf32>
    %slice3A_232 = vector.extract_strided_slice %min3A_81 {offsets = [5, 0], sizes = [1, 1024], strides = [1, 1]} : vector<9x1024xf32> to vector<1x1024xf32>
    %slice3A_233 = vector.extract_strided_slice %min3A_91 {offsets = [5, 0], sizes = [1, 1024], strides = [1, 1]} : vector<9x1024xf32> to vector<1x1024xf32>
    %slice3A_234 = vector.extract_strided_slice %min3A_101 {offsets = [5, 0], sizes = [1, 1024], strides = [1, 1]} : vector<9x1024xf32> to vector<1x1024xf32>
    %slice3A_235 = vector.extract_strided_slice %get3A_162 {offsets = [5, 0], sizes = [1, 1024], strides = [1, 1]} : vector<9x1024xf32> to vector<1x1024xf32>
    %concatenate3A_236 = tpu.concatenate %slice3A_230, %slice3A_231, %slice3A_232, %slice3A_233, %slice3A_234, %slice3A_235, %broadcast_in_dim3A_159 in 0 : vector<1x1024xf32>, vector<1x1024xf32>, vector<1x1024xf32>, vector<1x1024xf32>, vector<1x1024xf32>, vector<1x1024xf32>, vector<10x1024xf32> -> vector<16x1024xf32>
    %transpose3A_237 = tpu.transpose %concatenate3A_236, [1, 0] : vector<16x1024xf32> -> vector<1024x16xf32>
    %swap3A_238 = arith.constant 0 : index
    %swap3A_239 = arith.constant 5120 : index
    %swap3A_240 = arith.constant 0 : index
    %swap3A_241 = vector.load %arg14[%swap3A_238, %swap3A_239, %swap3A_240] : memref<1x9216x16xf32, #tpu.memory_space<vmem>>, vector<1x1024x16xf32>
    %swap3A_242 = vector.shape_cast %swap3A_241 : vector<1x1024x16xf32> to vector<1024x16xf32>
    %swap3A_243 = vector.shape_cast %transpose3A_237 : vector<1024x16xf32> to vector<1x1024x16xf32>
    tpu.vector_store %arg14[%swap3A_238, %swap3A_239, %swap3A_240], %swap3A_243 {strides = array<i32>} : memref<1x9216x16xf32, #tpu.memory_space<vmem>>, vector<1x1024x16xf32>,
    %slice3A_244 = vector.extract_strided_slice %div3A_19 {offsets = [6, 0], sizes = [1, 1024], strides = [1, 1]} : vector<9x1024xf32> to vector<1x1024xf32>
    %slice3A_245 = vector.extract_strided_slice %min3A_71 {offsets = [6, 0], sizes = [1, 1024], strides = [1, 1]} : vector<9x1024xf32> to vector<1x1024xf32>
    %slice3A_246 = vector.extract_strided_slice %min3A_81 {offsets = [6, 0], sizes = [1, 1024], strides = [1, 1]} : vector<9x1024xf32> to vector<1x1024xf32>
    %slice3A_247 = vector.extract_strided_slice %min3A_91 {offsets = [6, 0], sizes = [1, 1024], strides = [1, 1]} : vector<9x1024xf32> to vector<1x1024xf32>
    %slice3A_248 = vector.extract_strided_slice %min3A_101 {offsets = [6, 0], sizes = [1, 1024], strides = [1, 1]} : vector<9x1024xf32> to vector<1x1024xf32>
    %slice3A_249 = vector.extract_strided_slice %get3A_162 {offsets = [6, 0], sizes = [1, 1024], strides = [1, 1]} : vector<9x1024xf32> to vector<1x1024xf32>
    %concatenate3A_250 = tpu.concatenate %slice3A_244, %slice3A_245, %slice3A_246, %slice3A_247, %slice3A_248, %slice3A_249, %broadcast_in_dim3A_159 in 0 : vector<1x1024xf32>, vector<1x1024xf32>, vector<1x1024xf32>, vector<1x1024xf32>, vector<1x1024xf32>, vector<1x1024xf32>, vector<10x1024xf32> -> vector<16x1024xf32>
    %transpose3A_251 = tpu.transpose %concatenate3A_250, [1, 0] : vector<16x1024xf32> -> vector<1024x16xf32>
    %swap3A_252 = arith.constant 0 : index
    %swap3A_253 = arith.constant 6144 : index
    %swap3A_254 = arith.constant 0 : index
    %swap3A_255 = vector.load %arg14[%swap3A_252, %swap3A_253, %swap3A_254] : memref<1x9216x16xf32, #tpu.memory_space<vmem>>, vector<1x1024x16xf32>
    %swap3A_256 = vector.shape_cast %swap3A_255 : vector<1x1024x16xf32> to vector<1024x16xf32>
    %swap3A_257 = vector.shape_cast %transpose3A_251 : vector<1024x16xf32> to vector<1x1024x16xf32>
    tpu.vector_store %arg14[%swap3A_252, %swap3A_253, %swap3A_254], %swap3A_257 {strides = array<i32>} : memref<1x9216x16xf32, #tpu.memory_space<vmem>>, vector<1x1024x16xf32>,
    %slice3A_258 = vector.extract_strided_slice %div3A_19 {offsets = [7, 0], sizes = [1, 1024], strides = [1, 1]} : vector<9x1024xf32> to vector<1x1024xf32>
    %slice3A_259 = vector.extract_strided_slice %min3A_71 {offsets = [7, 0], sizes = [1, 1024], strides = [1, 1]} : vector<9x1024xf32> to vector<1x1024xf32>
    %slice3A_260 = vector.extract_strided_slice %min3A_81 {offsets = [7, 0], sizes = [1, 1024], strides = [1, 1]} : vector<9x1024xf32> to vector<1x1024xf32>
    %slice3A_261 = vector.extract_strided_slice %min3A_91 {offsets = [7, 0], sizes = [1, 1024], strides = [1, 1]} : vector<9x1024xf32> to vector<1x1024xf32>
    %slice3A_262 = vector.extract_strided_slice %min3A_101 {offsets = [7, 0], sizes = [1, 1024], strides = [1, 1]} : vector<9x1024xf32> to vector<1x1024xf32>
    %slice3A_263 = vector.extract_strided_slice %get3A_162 {offsets = [7, 0], sizes = [1, 1024], strides = [1, 1]} : vector<9x1024xf32> to vector<1x1024xf32>
    %concatenate3A_264 = tpu.concatenate %slice3A_258, %slice3A_259, %slice3A_260, %slice3A_261, %slice3A_262, %slice3A_263, %broadcast_in_dim3A_159 in 0 : vector<1x1024xf32>, vector<1x1024xf32>, vector<1x1024xf32>, vector<1x1024xf32>, vector<1x1024xf32>, vector<1x1024xf32>, vector<10x1024xf32> -> vector<16x1024xf32>
    %transpose3A_265 = tpu.transpose %concatenate3A_264, [1, 0] : vector<16x1024xf32> -> vector<1024x16xf32>
    %swap3A_266 = arith.constant 0 : index
    %swap3A_267 = arith.constant 7168 : index
    %swap3A_268 = arith.constant 0 : index
    %swap3A_269 = vector.load %arg14[%swap3A_266, %swap3A_267, %swap3A_268] : memref<1x9216x16xf32, #tpu.memory_space<vmem>>, vector<1x1024x16xf32>
    %swap3A_270 = vector.shape_cast %swap3A_269 : vector<1x1024x16xf32> to vector<1024x16xf32>
    %swap3A_271 = vector.shape_cast %transpose3A_265 : vector<1024x16xf32> to vector<1x1024x16xf32>
    tpu.vector_store %arg14[%swap3A_266, %swap3A_267, %swap3A_268], %swap3A_271 {strides = array<i32>} : memref<1x9216x16xf32, #tpu.memory_space<vmem>>, vector<1x1024x16xf32>,
    %slice3A_272 = vector.extract_strided_slice %div3A_19 {offsets = [8, 0], sizes = [1, 1024], strides = [1, 1]} : vector<9x1024xf32> to vector<1x1024xf32>
    %slice3A_273 = vector.extract_strided_slice %min3A_71 {offsets = [8, 0], sizes = [1, 1024], strides = [1, 1]} : vector<9x1024xf32> to vector<1x1024xf32>
    %slice3A_274 = vector.extract_strided_slice %min3A_81 {offsets = [8, 0], sizes = [1, 1024], strides = [1, 1]} : vector<9x1024xf32> to vector<1x1024xf32>
    %slice3A_275 = vector.extract_strided_slice %min3A_91 {offsets = [8, 0], sizes = [1, 1024], strides = [1, 1]} : vector<9x1024xf32> to vector<1x1024xf32>
    %slice3A_276 = vector.extract_strided_slice %min3A_101 {offsets = [8, 0], sizes = [1, 1024], strides = [1, 1]} : vector<9x1024xf32> to vector<1x1024xf32>
    %slice3A_277 = vector.extract_strided_slice %get3A_162 {offsets = [8, 0], sizes = [1, 1024], strides = [1, 1]} : vector<9x1024xf32> to vector<1x1024xf32>
    %concatenate3A_278 = tpu.concatenate %slice3A_272, %slice3A_273, %slice3A_274, %slice3A_275, %slice3A_276, %slice3A_277, %broadcast_in_dim3A_159 in 0 : vector<1x1024xf32>, vector<1x1024xf32>, vector<1x1024xf32>, vector<1x1024xf32>, vector<1x1024xf32>, vector<1x1024xf32>, vector<10x1024xf32> -> vector<16x1024xf32>
    %transpose3A_279 = tpu.transpose %concatenate3A_278, [1, 0] : vector<16x1024xf32> -> vector<1024x16xf32>
    %swap3A_280 = arith.constant 0 : index
    %swap3A_281 = arith.constant 8192 : index
    %swap3A_282 = arith.constant 0 : index
    %swap3A_283 = vector.load %arg14[%swap3A_280, %swap3A_281, %swap3A_282] : memref<1x9216x16xf32, #tpu.memory_space<vmem>>, vector<1x1024x16xf32>
    %swap3A_284 = vector.shape_cast %swap3A_283 : vector<1x1024x16xf32> to vector<1024x16xf32>
    %swap3A_285 = vector.shape_cast %transpose3A_279 : vector<1024x16xf32> to vector<1x1024x16xf32>
    tpu.vector_store %arg14[%swap3A_280, %swap3A_281, %swap3A_282], %swap3A_285 {strides = array<i32>} : memref<1x9216x16xf32, #tpu.memory_space<vmem>>, vector<1x1024x16xf32>,
    %swap3A_286 = arith.constant 0 : index
    %swap3A_287 = arith.constant 0 : index
    %swap3A_288 = arith.constant 0 : index
    %swap3A_289 = vector.load %arg15[%swap3A_286, %swap3A_287, %swap3A_288] : memref<1x9x1024xi32, #tpu.memory_space<vmem>>, vector<1x9x1024xi32>
    %swap3A_290 = vector.shape_cast %swap3A_289 : vector<1x9x1024xi32> to vector<9x1024xi32>
    %swap3A_291 = vector.shape_cast %add3A_157 : vector<9x1024xi32> to vector<1x9x1024xi32>
    tpu.vector_store %arg15[%swap3A_286, %swap3A_287, %swap3A_288], %swap3A_291 {strides = array<i32>} : memref<1x9x1024xi32, #tpu.memory_space<vmem>>, vector<1x9x1024xi32>,
    return
  }
  func.func @transform_0(%arg0: i32) -> (i32, i32, i32) {
    %c0_i32 = arith.constant 0 : i32
    %c0_i32_0 = arith.constant 0 : i32
    %c0_i32_1 = arith.constant 0 : i32
    return %arg0, %c0_i32, %c0_i32_0 : i32, i32, i32
  }
  func.func @transform_1(%arg0: i32) -> (i32, i32) {
    %c0_i32 = arith.constant 0 : i32
    %c0_i32_0 = arith.constant 0 : i32
    %c0_i32_1 = arith.constant 0 : i32
    return %c0_i32, %c0_i32_0 : i32, i32
  }
  func.func @transform_2(%arg0: i32) -> (i32, i32) {
    %c0_i32 = arith.constant 0 : i32
    %c0_i32_0 = arith.constant 0 : i32
    %c0_i32_1 = arith.constant 0 : i32
    return %c0_i32, %c0_i32_0 : i32, i32
  }
  func.func @transform_3(%arg0: i32) -> (i32, i32) {
    %c0_i32 = arith.constant 0 : i32
    %c0_i32_0 = arith.constant 0 : i32
    %c0_i32_1 = arith.constant 0 : i32
    return %c0_i32, %c0_i32_0 : i32, i32
  }
  func.func @transform_4(%arg0: i32) -> (i32, i32) {
    %c0_i32 = arith.constant 0 : i32
    %c0_i32_0 = arith.constant 0 : i32
    %c0_i32_1 = arith.constant 0 : i32
    return %c0_i32, %c0_i32_0 : i32, i32
  }
  func.func @transform_5(%arg0: i32) -> (i32, i32) {
    %c0_i32 = arith.constant 0 : i32
    %c0_i32_0 = arith.constant 0 : i32
    %c0_i32_1 = arith.constant 0 : i32
    return %c0_i32, %c0_i32_0 : i32, i32
  }
  func.func @transform_6(%arg0: i32) -> (i32, i32) {
    %c0_i32 = arith.constant 0 : i32
    %c0_i32_0 = arith.constant 0 : i32
    %c0_i32_1 = arith.constant 0 : i32
    return %c0_i32, %c0_i32_0 : i32, i32
  }
  func.func @transform_7(%arg0: i32) -> (i32, i32) {
    %c0_i32 = arith.constant 0 : i32
    %c0_i32_0 = arith.constant 0 : i32
    %c0_i32_1 = arith.constant 0 : i32
    return %c0_i32, %c0_i32_0 : i32, i32
  }
  func.func @transform_8(%arg0: i32) -> (i32, i32) {
    %c0_i32 = arith.constant 0 : i32
    %c0_i32_0 = arith.constant 0 : i32
    %c0_i32_1 = arith.constant 0 : i32
    return %c0_i32, %c0_i32_0 : i32, i32
  }
  func.func @transform_9(%arg0: i32) -> (i32, i32) {
    %c0_i32 = arith.constant 0 : i32
    %c0_i32_0 = arith.constant 0 : i32
    %c0_i32_1 = arith.constant 0 : i32
    return %c0_i32, %c0_i32_0 : i32, i32
  }
  func.func @transform_10(%arg0: i32) -> (i32, i32) {
    %c0_i32 = arith.constant 0 : i32
    %c0_i32_0 = arith.constant 0 : i32
    %c0_i32_1 = arith.constant 0 : i32
    return %c0_i32, %c0_i32_0 : i32, i32
  }
  func.func @transform_11(%arg0: i32) -> (i32, i32) {
    %c0_i32 = arith.constant 0 : i32
    %c0_i32_0 = arith.constant 0 : i32
    %c0_i32_1 = arith.constant 0 : i32
    return %c0_i32, %c0_i32_0 : i32, i32
  }
  func.func @transform_12(%arg0: i32) -> (i32, i32) {
    %c0_i32 = arith.constant 0 : i32
    %c0_i32_0 = arith.constant 0 : i32
    %c0_i32_1 = arith.constant 0 : i32
    return %c0_i32, %c0_i32_0 : i32, i32
  }
  func.func @transform_13(%arg0: i32) -> (i32, i32, i32) {
    %c0_i32 = arith.constant 0 : i32
    %c0_i32_0 = arith.constant 0 : i32
    %c0_i32_1 = arith.constant 0 : i32
    return %arg0, %c0_i32, %c0_i32_0 : i32, i32, i32
  }
  func.func @transform_14(%arg0: i32) -> (i32, i32, i32) {
    %c0_i32 = arith.constant 0 : i32
    %c0_i32_0 = arith.constant 0 : i32
    %c0_i32_1 = arith.constant 0 : i32
    return %arg0, %c0_i32, %c0_i32_0 : i32, i32, i32
  }
}

module attributes {stable_mosaic.version = 14 : i64} {
  func.func @_tail_body(%arg0: i32, %arg1: memref<1x520x16xf32, #tpu.memory_space<vmem>>, %arg2: memref<1x128x8xf32, #tpu.memory_space<vmem>>) attributes {dimension_semantics = [#tpu.dimension_semantics<parallel>], iteration_bounds = array<i64: 8>, scalar_prefetch = 0 : i64, scratch_operands = 0 : i64, tpu.core_type = #tpu.core_type<tc>, window_params = [{transform_indices = @transform_0, window_bounds = array<i64: 1, 520, 16>}, {transform_indices = @transform_1, window_bounds = array<i64: 1, 128, 8>}]} {
    %get3A = arith.constant 0 : index
    %get3A_0 = arith.constant 0 : index
    %get3A_1 = arith.constant 0 : index
    %get3A_2 = vector.load %arg1[%get3A, %get3A_0, %get3A_1] : memref<1x520x16xf32, #tpu.memory_space<vmem>>, vector<1x512x16xf32>
    %get3A_3 = vector.shape_cast %get3A_2 : vector<1x512x16xf32> to vector<512x16xf32>
    %slice3A = vector.extract_strided_slice %get3A_3 {offsets = [0, 0], sizes = [512, 1], strides = [1, 1]} : vector<512x16xf32> to vector<512x1xf32>
    %slice3A_4 = vector.extract_strided_slice %get3A_3 {offsets = [0, 5], sizes = [512, 1], strides = [1, 1]} : vector<512x16xf32> to vector<512x1xf32>
    %transpose3A = tpu.transpose %slice3A, [1, 0] : vector<512x1xf32> -> vector<1x512xf32>
    %transpose3A_5 = tpu.transpose %slice3A_4, [1, 0] : vector<512x1xf32> -> vector<1x512xf32>
    %gt3A = vector.broadcast %transpose3A : vector<1x512xf32> to vector<512x512xf32>
    %gt3A_6 = vector.broadcast %slice3A : vector<512x1xf32> to vector<512x512xf32>
    %gt3A_7 = arith.cmpf ogt, %gt3A, %gt3A_6 : vector<512x512xf32>
    %eq3A = vector.broadcast %transpose3A : vector<1x512xf32> to vector<512x512xf32>
    %eq3A_8 = vector.broadcast %slice3A : vector<512x1xf32> to vector<512x512xf32>
    %eq3A_9 = arith.cmpf oeq, %eq3A, %eq3A_8 : vector<512x512xf32>
    %lt3A = vector.broadcast %transpose3A_5 : vector<1x512xf32> to vector<512x512xf32>
    %lt3A_10 = vector.broadcast %slice3A_4 : vector<512x1xf32> to vector<512x512xf32>
    %lt3A_11 = arith.cmpf olt, %lt3A, %lt3A_10 : vector<512x512xf32>
    %and3A = arith.andi %eq3A_9, %lt3A_11 : vector<512x512xi1>
    %or3A = arith.ori %gt3A_7, %and3A : vector<512x512xi1>
    %convert_element_type3A = arith.extui %or3A : vector<512x512xi1> to vector<512x512xi32>
    %reduce_sum3A = arith.constant dense<0> : vector<512xi32>
    %reduce_sum3A_12 = vector.multi_reduction <add>, %convert_element_type3A, %reduce_sum3A [1] : vector<512x512xi32> to vector<512xi32>
    %broadcast_in_dim3A = vector.shape_cast %reduce_sum3A_12 : vector<512xi32> to vector<512x1xi32>
    %iota3A = tpu.iota {dimensions = array<i32: 0>} : vector<512x512xi32>
    %transpose3A_13 = tpu.transpose %broadcast_in_dim3A, [1, 0] : vector<512x1xi32> -> vector<1x512xi32>
    %eq3A_14 = vector.broadcast %transpose3A_13 : vector<1x512xi32> to vector<512x512xi32>
    %eq3A_15 = arith.cmpi eq, %eq3A_14, %iota3A : vector<512x512xi32>
    %convert_element_type3A_16 = arith.extui %eq3A_15 : vector<512x512xi1> to vector<512x512xi32>
    %convert_element_type3A_17 = arith.sitofp %convert_element_type3A_16 : vector<512x512xi32> to vector<512x512xf32>
    %dot_general3A = arith.constant dense<0.000000e+00> : vector<512x16xf32>
    %dot_general3A_18 = tpu.matmul %convert_element_type3A_17, %get3A_3, %dot_general3A {dimension_numbers = #tpu.dot_dimension_numbers<[1], [0], [0], [1], [0, 0, 1, 1], [], []>, precision = #tpu.contract_precision<fp32>, transpose_lhs_hint = false} : vector<512x512xf32>, vector<512x16xf32>, vector<512x16xf32> -> vector<512x16xf32>
    %slice3A_19 = vector.extract_strided_slice %dot_general3A_18 {offsets = [0, 0], sizes = [512, 1], strides = [1, 1]} : vector<512x16xf32> to vector<512x1xf32>
    %squeeze3A = vector.shape_cast %slice3A_19 : vector<512x1xf32> to vector<512xf32>
    %slice3A_20 = vector.extract_strided_slice %dot_general3A_18 {offsets = [0, 1], sizes = [512, 1], strides = [1, 1]} : vector<512x16xf32> to vector<512x1xf32>
    %squeeze3A_21 = vector.shape_cast %slice3A_20 : vector<512x1xf32> to vector<512xf32>
    %slice3A_22 = vector.extract_strided_slice %dot_general3A_18 {offsets = [0, 2], sizes = [512, 1], strides = [1, 1]} : vector<512x16xf32> to vector<512x1xf32>
    %squeeze3A_23 = vector.shape_cast %slice3A_22 : vector<512x1xf32> to vector<512xf32>
    %slice3A_24 = vector.extract_strided_slice %dot_general3A_18 {offsets = [0, 3], sizes = [512, 1], strides = [1, 1]} : vector<512x16xf32> to vector<512x1xf32>
    %squeeze3A_25 = vector.shape_cast %slice3A_24 : vector<512x1xf32> to vector<512xf32>
    %slice3A_26 = vector.extract_strided_slice %dot_general3A_18 {offsets = [0, 4], sizes = [512, 1], strides = [1, 1]} : vector<512x16xf32> to vector<512x1xf32>
    %squeeze3A_27 = vector.shape_cast %slice3A_26 : vector<512x1xf32> to vector<512xf32>
    %sub3A = arith.subf %squeeze3A_25, %squeeze3A_21 : vector<512xf32>
    %ge3A = arith.constant 1.000000e-03 : f32
    %ge3A_28 = vector.broadcast %ge3A : f32 to vector<512xf32>
    %ge3A_29 = arith.cmpf oge, %sub3A, %ge3A_28 : vector<512xf32>
    %sub3A_30 = arith.subf %squeeze3A_27, %squeeze3A_23 : vector<512xf32>
    %ge3A_31 = arith.constant 1.000000e-03 : f32
    %ge3A_32 = vector.broadcast %ge3A_31 : f32 to vector<512xf32>
    %ge3A_33 = arith.cmpf oge, %sub3A_30, %ge3A_32 : vector<512xf32>
    %and3A_34 = arith.andi %ge3A_29, %ge3A_33 : vector<512xi1>
    %ge3A_35 = arith.constant 5.000000e-01 : f32
    %ge3A_36 = vector.broadcast %ge3A_35 : f32 to vector<512xf32>
    %ge3A_37 = arith.cmpf oge, %squeeze3A, %ge3A_36 : vector<512xf32>
    %and3A_38 = arith.andi %and3A_34, %ge3A_37 : vector<512xi1>
    %sub3A_39 = arith.subf %squeeze3A_25, %squeeze3A_21 : vector<512xf32>
    %max3A = arith.constant 0.000000e+00 : f32
    %max3A_40 = vector.broadcast %max3A : f32 to vector<512xf32>
    %max3A_41 = arith.maximumf %sub3A_39, %max3A_40 : vector<512xf32>
    %sub3A_42 = arith.subf %squeeze3A_27, %squeeze3A_23 : vector<512xf32>
    %max3A_43 = arith.constant 0.000000e+00 : f32
    %max3A_44 = vector.broadcast %max3A_43 : f32 to vector<512xf32>
    %max3A_45 = arith.maximumf %sub3A_42, %max3A_44 : vector<512xf32>
    %mul3A = arith.mulf %max3A_41, %max3A_45 : vector<512xf32>
    %broadcast_in_dim3A_46 = vector.shape_cast %squeeze3A_21 : vector<512xf32> to vector<512x1xf32>
    %broadcast_in_dim3A_47 = vector.shape_cast %squeeze3A_21 : vector<512xf32> to vector<1x512xf32>
    %max3A_48 = vector.broadcast %broadcast_in_dim3A_46 : vector<512x1xf32> to vector<512x512xf32>
    %max3A_49 = vector.broadcast %broadcast_in_dim3A_47 : vector<1x512xf32> to vector<512x512xf32>
    %max3A_50 = arith.maximumf %max3A_48, %max3A_49 : vector<512x512xf32>
    %broadcast_in_dim3A_51 = vector.shape_cast %squeeze3A_23 : vector<512xf32> to vector<512x1xf32>
    %broadcast_in_dim3A_52 = vector.shape_cast %squeeze3A_23 : vector<512xf32> to vector<1x512xf32>
    %max3A_53 = vector.broadcast %broadcast_in_dim3A_51 : vector<512x1xf32> to vector<512x512xf32>
    %max3A_54 = vector.broadcast %broadcast_in_dim3A_52 : vector<1x512xf32> to vector<512x512xf32>
    %max3A_55 = arith.maximumf %max3A_53, %max3A_54 : vector<512x512xf32>
    %broadcast_in_dim3A_56 = vector.shape_cast %squeeze3A_25 : vector<512xf32> to vector<512x1xf32>
    %broadcast_in_dim3A_57 = vector.shape_cast %squeeze3A_25 : vector<512xf32> to vector<1x512xf32>
    %min3A = vector.broadcast %broadcast_in_dim3A_56 : vector<512x1xf32> to vector<512x512xf32>
    %min3A_58 = vector.broadcast %broadcast_in_dim3A_57 : vector<1x512xf32> to vector<512x512xf32>
    %min3A_59 = arith.minimumf %min3A, %min3A_58 : vector<512x512xf32>
    %broadcast_in_dim3A_60 = vector.shape_cast %squeeze3A_27 : vector<512xf32> to vector<512x1xf32>
    %broadcast_in_dim3A_61 = vector.shape_cast %squeeze3A_27 : vector<512xf32> to vector<1x512xf32>
    %min3A_62 = vector.broadcast %broadcast_in_dim3A_60 : vector<512x1xf32> to vector<512x512xf32>
    %min3A_63 = vector.broadcast %broadcast_in_dim3A_61 : vector<1x512xf32> to vector<512x512xf32>
    %min3A_64 = arith.minimumf %min3A_62, %min3A_63 : vector<512x512xf32>
    %sub3A_65 = arith.subf %min3A_59, %max3A_50 : vector<512x512xf32>
    %max3A_66 = arith.constant 0.000000e+00 : f32
    %max3A_67 = vector.broadcast %max3A_66 : f32 to vector<512x512xf32>
    %max3A_68 = arith.maximumf %sub3A_65, %max3A_67 : vector<512x512xf32>
    %sub3A_69 = arith.subf %min3A_64, %max3A_55 : vector<512x512xf32>
    %max3A_70 = arith.constant 0.000000e+00 : f32
    %max3A_71 = vector.broadcast %max3A_70 : f32 to vector<512x512xf32>
    %max3A_72 = arith.maximumf %sub3A_69, %max3A_71 : vector<512x512xf32>
    %mul3A_73 = arith.mulf %max3A_68, %max3A_72 : vector<512x512xf32>
    %broadcast_in_dim3A_74 = vector.shape_cast %mul3A : vector<512xf32> to vector<512x1xf32>
    %broadcast_in_dim3A_75 = vector.shape_cast %mul3A : vector<512xf32> to vector<1x512xf32>
    %add3A = vector.broadcast %broadcast_in_dim3A_74 : vector<512x1xf32> to vector<512x512xf32>
    %add3A_76 = vector.broadcast %broadcast_in_dim3A_75 : vector<1x512xf32> to vector<512x512xf32>
    %add3A_77 = arith.addf %add3A, %add3A_76 : vector<512x512xf32>
    %sub3A_78 = arith.subf %add3A_77, %mul3A_73 : vector<512x512xf32>
    %add3A_79 = arith.constant 9.99999971E-10 : f32
    %add3A_80 = vector.broadcast %add3A_79 : f32 to vector<512x512xf32>
    %add3A_81 = arith.addf %sub3A_78, %add3A_80 : vector<512x512xf32>
    %div3A = arith.divf %mul3A_73, %add3A_81 : vector<512x512xf32>
    %iota3A_82 = tpu.iota {dimensions = array<i32: 0>} : vector<512x512xi32>
    %iota3A_83 = tpu.iota {dimensions = array<i32: 1>} : vector<512x512xi32>
    %gt3A_84 = arith.constant 0.699999988 : f32
    %gt3A_85 = vector.broadcast %gt3A_84 : f32 to vector<512x512xf32>
    %gt3A_86 = arith.cmpf ogt, %div3A, %gt3A_85 : vector<512x512xf32>
    %lt3A_87 = arith.cmpi slt, %iota3A_82, %iota3A_83 : vector<512x512xi32>
    %and3A_88 = arith.andi %gt3A_86, %lt3A_87 : vector<512x512xi1>
    %convert_element_type3A_89 = arith.extui %and3A_88 : vector<512x512xi1> to vector<512x512xi32>
    %convert_element_type3A_90 = arith.sitofp %convert_element_type3A_89 : vector<512x512xi32> to vector<512x512xf32>
    %broadcast_in_dim3A_91 = vector.shape_cast %and3A_38 : vector<512xi1> to vector<1x512xi1>
    %convert_element_type3A_92 = arith.extui %broadcast_in_dim3A_91 : vector<1x512xi1> to vector<1x512xi32>
    %convert_element_type3A_93 = arith.sitofp %convert_element_type3A_92 : vector<1x512xi32> to vector<1x512xf32>
    %sub3A_94 = arith.constant 1.000000e+00 : f32
    %sub3A_95 = vector.broadcast %sub3A_94 : f32 to vector<1x512xf32>
    %sub3A_96 = arith.subf %convert_element_type3A_93, %sub3A_95 : vector<1x512xf32>
    %while3A = arith.constant 0 : i32
    %while3A_97:3 = scf.while (%while3A_164 = %convert_element_type3A_93, %while3A_165 = %sub3A_96, %while3A_166 = %while3A) : (vector<1x512xf32>, vector<1x512xf32>, i32) -> (vector<1x512xf32>, vector<1x512xf32>, i32) {
      %ne3A = arith.cmpf one, %while3A_164, %while3A_165 : vector<1x512xf32>
      %reduce_or3A = arith.constant 1.000000e+00 : f32
      %reduce_or3A_167 = arith.constant 0.000000e+00 : f32
      %reduce_or3A_168 = vector.broadcast %reduce_or3A : f32 to vector<1x512xf32>
      %reduce_or3A_169 = vector.broadcast %reduce_or3A_167 : f32 to vector<1x512xf32>
      %reduce_or3A_170 = arith.select %ne3A, %reduce_or3A_168, %reduce_or3A_169 : vector<1x512xi1>, vector<1x512xf32>
      %reduce_or3A_171 = vector.shape_cast %reduce_or3A_170 : vector<1x512xf32> to vector<1x1x512xf32>
      %reduce_or3A_172 = arith.constant dense<0xFF800000> : vector<1xf32>
      %reduce_or3A_173 = vector.multi_reduction <maximumf>, %reduce_or3A_171, %reduce_or3A_172 [1, 2] : vector<1x1x512xf32> to vector<1xf32>
      %reduce_or3A_174 = vector.shape_cast %reduce_or3A_173 : vector<1xf32> to vector<1x1x1xf32>
      %reduce_or3A_175 = vector.extract %reduce_or3A_174[0, 0, 0] : f32 from vector<1x1x1xf32>
      %reduce_or3A_176 = arith.constant 0.000000e+00 : f32
      %reduce_or3A_177 = arith.cmpf ogt, %reduce_or3A_175, %reduce_or3A_176 : f32
      %lt3A_178 = arith.constant 514 : i32
      %lt3A_179 = arith.cmpi slt, %while3A_166, %lt3A_178 : i32
      %and3A_180 = arith.andi %reduce_or3A_177, %lt3A_179 : i1
      scf.condition(%and3A_180) %while3A_164, %while3A_165, %while3A_166 : vector<1x512xf32>, vector<1x512xf32>, i32
    } do {
    ^bb0(%while3A_164: vector<1x512xf32>, %while3A_165: vector<1x512xf32>, %while3A_166: i32):
      %dot_general3A_167 = arith.constant dense<0.000000e+00> : vector<1x512xf32>
      %dot_general3A_168 = tpu.matmul %while3A_164, %convert_element_type3A_90, %dot_general3A_167 {dimension_numbers = #tpu.dot_dimension_numbers<[1], [0], [0], [1], [0, 0, 1, 1], [], []>, transpose_lhs_hint = false} : vector<1x512xf32>, vector<512x512xf32>, vector<1x512xf32> -> vector<1x512xf32>
      %gt3A_169 = arith.constant 0.000000e+00 : f32
      %gt3A_170 = vector.broadcast %gt3A_169 : f32 to vector<1x512xf32>
      %gt3A_171 = arith.cmpf ogt, %dot_general3A_168, %gt3A_170 : vector<1x512xf32>
      %jit3A = arith.constant 0.000000e+00 : f32
      %broadcast_in_dim3A_172 = vector.broadcast %jit3A : f32 to vector<1x512xf32>
      %select_n3A = arith.select %gt3A_171, %broadcast_in_dim3A_172, %convert_element_type3A_93 : vector<1x512xi1>, vector<1x512xf32>
      %add3A_173 = arith.constant 1 : i32
      %add3A_174 = arith.addi %while3A_166, %add3A_173 : i32
      scf.yield %select_n3A, %while3A_164, %add3A_174 : vector<1x512xf32>, vector<1x512xf32>, i32
    }
    %convert_element_type3A_98 = arith.fptosi %while3A_97#0 : vector<1x512xf32> to vector<1x512xi32>
    %broadcast_in_dim3A_99 = arith.constant 0 : i32
    %broadcast_in_dim3A_100 = vector.broadcast %broadcast_in_dim3A_99 : i32 to vector<1x1xi32>
    %slice3A_101 = vector.extract_strided_slice %convert_element_type3A_98 {offsets = [0, 0], sizes = [1, 511], strides = [1, 1]} : vector<1x512xi32> to vector<1x511xi32>
    %concatenate3A = tpu.concatenate %broadcast_in_dim3A_100, %slice3A_101 in 1 : vector<1x1xi32>, vector<1x511xi32> -> vector<1x512xi32>
    %add3A_102 = arith.addi %convert_element_type3A_98, %concatenate3A : vector<1x512xi32>
    %broadcast_in_dim3A_103 = arith.constant 0 : i32
    %broadcast_in_dim3A_104 = vector.broadcast %broadcast_in_dim3A_103 : i32 to vector<1x2xi32>
    %slice3A_105 = vector.extract_strided_slice %add3A_102 {offsets = [0, 0], sizes = [1, 510], strides = [1, 1]} : vector<1x512xi32> to vector<1x510xi32>
    %concatenate3A_106 = tpu.concatenate %broadcast_in_dim3A_104, %slice3A_105 in 1 : vector<1x2xi32>, vector<1x510xi32> -> vector<1x512xi32>
    %add3A_107 = arith.addi %add3A_102, %concatenate3A_106 : vector<1x512xi32>
    %broadcast_in_dim3A_108 = arith.constant 0 : i32
    %broadcast_in_dim3A_109 = vector.broadcast %broadcast_in_dim3A_108 : i32 to vector<1x4xi32>
    %slice3A_110 = vector.extract_strided_slice %add3A_107 {offsets = [0, 0], sizes = [1, 508], strides = [1, 1]} : vector<1x512xi32> to vector<1x508xi32>
    %concatenate3A_111 = tpu.concatenate %broadcast_in_dim3A_109, %slice3A_110 in 1 : vector<1x4xi32>, vector<1x508xi32> -> vector<1x512xi32>
    %add3A_112 = arith.addi %add3A_107, %concatenate3A_111 : vector<1x512xi32>
    %broadcast_in_dim3A_113 = arith.constant 0 : i32
    %broadcast_in_dim3A_114 = vector.broadcast %broadcast_in_dim3A_113 : i32 to vector<1x8xi32>
    %slice3A_115 = vector.extract_strided_slice %add3A_112 {offsets = [0, 0], sizes = [1, 504], strides = [1, 1]} : vector<1x512xi32> to vector<1x504xi32>
    %concatenate3A_116 = tpu.concatenate %broadcast_in_dim3A_114, %slice3A_115 in 1 : vector<1x8xi32>, vector<1x504xi32> -> vector<1x512xi32>
    %add3A_117 = arith.addi %add3A_112, %concatenate3A_116 : vector<1x512xi32>
    %broadcast_in_dim3A_118 = arith.constant 0 : i32
    %broadcast_in_dim3A_119 = vector.broadcast %broadcast_in_dim3A_118 : i32 to vector<1x16xi32>
    %slice3A_120 = vector.extract_strided_slice %add3A_117 {offsets = [0, 0], sizes = [1, 496], strides = [1, 1]} : vector<1x512xi32> to vector<1x496xi32>
    %concatenate3A_121 = tpu.concatenate %broadcast_in_dim3A_119, %slice3A_120 in 1 : vector<1x16xi32>, vector<1x496xi32> -> vector<1x512xi32>
    %add3A_122 = arith.addi %add3A_117, %concatenate3A_121 : vector<1x512xi32>
    %broadcast_in_dim3A_123 = arith.constant 0 : i32
    %broadcast_in_dim3A_124 = vector.broadcast %broadcast_in_dim3A_123 : i32 to vector<1x32xi32>
    %slice3A_125 = vector.extract_strided_slice %add3A_122 {offsets = [0, 0], sizes = [1, 480], strides = [1, 1]} : vector<1x512xi32> to vector<1x480xi32>
    %concatenate3A_126 = tpu.concatenate %broadcast_in_dim3A_124, %slice3A_125 in 1 : vector<1x32xi32>, vector<1x480xi32> -> vector<1x512xi32>
    %add3A_127 = arith.addi %add3A_122, %concatenate3A_126 : vector<1x512xi32>
    %broadcast_in_dim3A_128 = arith.constant 0 : i32
    %broadcast_in_dim3A_129 = vector.broadcast %broadcast_in_dim3A_128 : i32 to vector<1x64xi32>
    %slice3A_130 = vector.extract_strided_slice %add3A_127 {offsets = [0, 0], sizes = [1, 448], strides = [1, 1]} : vector<1x512xi32> to vector<1x448xi32>
    %concatenate3A_131 = tpu.concatenate %broadcast_in_dim3A_129, %slice3A_130 in 1 : vector<1x64xi32>, vector<1x448xi32> -> vector<1x512xi32>
    %add3A_132 = arith.addi %add3A_127, %concatenate3A_131 : vector<1x512xi32>
    %broadcast_in_dim3A_133 = arith.constant 0 : i32
    %broadcast_in_dim3A_134 = vector.broadcast %broadcast_in_dim3A_133 : i32 to vector<1x128xi32>
    %slice3A_135 = vector.extract_strided_slice %add3A_132 {offsets = [0, 0], sizes = [1, 384], strides = [1, 1]} : vector<1x512xi32> to vector<1x384xi32>
    %concatenate3A_136 = tpu.concatenate %broadcast_in_dim3A_134, %slice3A_135 in 1 : vector<1x128xi32>, vector<1x384xi32> -> vector<1x512xi32>
    %add3A_137 = arith.addi %add3A_132, %concatenate3A_136 : vector<1x512xi32>
    %broadcast_in_dim3A_138 = arith.constant 0 : i32
    %broadcast_in_dim3A_139 = vector.broadcast %broadcast_in_dim3A_138 : i32 to vector<1x256xi32>
    %slice3A_140 = vector.extract_strided_slice %add3A_137 {offsets = [0, 0], sizes = [1, 256], strides = [1, 1]} : vector<1x512xi32> to vector<1x256xi32>
    %concatenate3A_141 = tpu.concatenate %broadcast_in_dim3A_139, %slice3A_140 in 1 : vector<1x256xi32>, vector<1x256xi32> -> vector<1x512xi32>
    %add3A_142 = arith.addi %add3A_137, %concatenate3A_141 : vector<1x512xi32>
    %sub3A_143 = arith.constant 1 : i32
    %sub3A_144 = vector.broadcast %sub3A_143 : i32 to vector<1x512xi32>
    %sub3A_145 = arith.subi %add3A_142, %sub3A_144 : vector<1x512xi32>
    %iota3A_146 = tpu.iota {dimensions = array<i32: 0>} : vector<128x512xi32>
    %eq3A_147 = vector.broadcast %sub3A_145 : vector<1x512xi32> to vector<128x512xi32>
    %eq3A_148 = arith.cmpi eq, %eq3A_147, %iota3A_146 : vector<128x512xi32>
    %gt3A_149 = arith.constant 0 : i32
    %gt3A_150 = vector.broadcast %gt3A_149 : i32 to vector<1x512xi32>
    %gt3A_151 = arith.cmpi sgt, %convert_element_type3A_98, %gt3A_150 : vector<1x512xi32>
    %and3A_152 = vector.broadcast %gt3A_151 : vector<1x512xi1> to vector<128x512xi1>
    %and3A_153 = arith.andi %eq3A_148, %and3A_152 : vector<128x512xi1>
    %convert_element_type3A_154 = arith.extui %and3A_153 : vector<128x512xi1> to vector<128x512xi32>
    %convert_element_type3A_155 = arith.sitofp %convert_element_type3A_154 : vector<128x512xi32> to vector<128x512xf32>
    %slice3A_156 = vector.extract_strided_slice %dot_general3A_18 {offsets = [0, 0], sizes = [512, 8], strides = [1, 1]} : vector<512x16xf32> to vector<512x8xf32>
    %dot_general3A_157 = arith.constant dense<0.000000e+00> : vector<128x8xf32>
    %dot_general3A_158 = tpu.matmul %convert_element_type3A_155, %slice3A_156, %dot_general3A_157 {dimension_numbers = #tpu.dot_dimension_numbers<[1], [0], [0], [1], [0, 0, 1, 1], [], []>, precision = #tpu.contract_precision<fp32>, transpose_lhs_hint = false} : vector<128x512xf32>, vector<512x8xf32>, vector<128x8xf32> -> vector<128x8xf32>
    %swap3A = arith.constant 0 : index
    %swap3A_159 = arith.constant 0 : index
    %swap3A_160 = arith.constant 0 : index
    %swap3A_161 = vector.load %arg2[%swap3A, %swap3A_159, %swap3A_160] : memref<1x128x8xf32, #tpu.memory_space<vmem>>, vector<1x128x8xf32>
    %swap3A_162 = vector.shape_cast %swap3A_161 : vector<1x128x8xf32> to vector<128x8xf32>
    %swap3A_163 = vector.shape_cast %dot_general3A_158 : vector<128x8xf32> to vector<1x128x8xf32>
    tpu.vector_store %arg2[%swap3A, %swap3A_159, %swap3A_160], %swap3A_163 {strides = array<i32>} : memref<1x128x8xf32, #tpu.memory_space<vmem>>, vector<1x128x8xf32>,
    return
  }
  func.func @transform_0(%arg0: i32) -> (i32, i32, i32) {
    %c0_i32 = arith.constant 0 : i32
    %c0_i32_0 = arith.constant 0 : i32
    %c0_i32_1 = arith.constant 0 : i32
    return %arg0, %c0_i32, %c0_i32_0 : i32, i32, i32
  }
  func.func @transform_1(%arg0: i32) -> (i32, i32, i32) {
    %c0_i32 = arith.constant 0 : i32
    %c0_i32_0 = arith.constant 0 : i32
    %c0_i32_1 = arith.constant 0 : i32
    return %arg0, %c0_i32, %c0_i32_0 : i32, i32, i32
  }
}

</mosaic_0001>

<sc_bundles>
// kernel: kernel.5.cloned.1.call-start
scs
__scs_entry_jumppad:
0x0: {  	(pc) =	sbr.rel $0x88, $3  }
0x1: {  	(tag) =	ssettag $0x0;
	lr =	simm.s32 $0x1  }
0x2: {  	[smem:$0x3F9A] =	sst lr;
	_ =	strace $0xD0000000  }
0x3: {  	_ = 	snop  }
0x4: {  	_ = 	snop  }
0x5: {  	_ = 	snop  }
0x6: {  	_ = 	snop  }
0x7: {  	_ = 	snop  }
__scs_overlays_trampoline_lowered:
0x8: {  	[smem:$0x3FA9] =	sst s0  }
0x9: {  	[smem:$0x3FAA] =	sst s1  }
0xa: {  	[smem:$0x3FAB] =	sst s2  }
0xb: {  	[smem:$0x3FAC] =	sst s3  }
0xc: {  	[smem:$0x3FAD] =	sst s4  }
0xd: {  	[smem:$0x3FAE] =	sst s5  }
0xe: {  	[smem:$0x3FAF] =	sst s6  }
0xf: {  	[smem:$0x3FB0] =	sst s7  }
0x10: {  	[smem:$0x3FB1] =	sst s8  }
0x11: {  	[smem:$0x3FB2] =	sst s9;
	s0 =	simm.s32 @!p0 $0x0  }
0x12: {  	s1 =	sld [smem:$0x3F98];
	s0 =	simm.s32 @p0 $0x1  }
0x13: {  	[smem:$0x3FB3] =	sst s0;
	s0 =	simm.s32 @!p1 $0x0  }
0x14: {  	s2 =	sld [smem:$0x3F97];
	s0 =	simm.s32 @p1 $0x1  }
0x15: {  	[smem:$0x3FB4] =	sst s0;
	s0 =	simm.s32 @!p2 $0x0  }
0x16: {  	s3 =	sld [smem:$0x3FDB];
	s0 =	simm.s32 @p2 $0x1  }
0x17: {  	s4 =	simm.s32 $0x1BF5;
	[smem:$0x3FB6] =	sst s0  }
0x18: {  	s0 =	sld [smem:$0x3F99];
	_ =	swait.ge [sflag:s4], $0x0  }
0x19: {  	s7 =	sld [smem:$0x3F9A]  }
0x1a: {  	s8 =	sadd.s32 $0xFFFFE003, lr  }
0x1b: {  	s9 =	sadd.s32 $0xFFFFFEF7, lr;
	s5 =	simm.s32 $0xFFFFFFFF;
	p2 =	slt.u32 s8, $0xFFFFF086  }
0x1c: {  	p1 =	slt.u32 s9, $0xF7A;
	s5 =	simm.s32 @!p2 $0x0  }
0x1d: {  	s5 =	simm.s32 @p1 $0x1;
	p0 =	seq.s32 s7, s2  }
0x1e: {  	s7 =	smul.u32 @!p0 $0xF7A, s2;
	p2 =	seq.s32 @!p0 s5, $0x0  }
0x1f: {  	s9 =	smul.u32 $0xF7A, s1;
	s8 =	simm.s32 @!p0 $0x1BF5;
	p2 =	por !p2, p0  }
0x20: {  	[sflag:s8] =	ssyncset.s32 @!p0 $0xFFFFF086;
	s6 =	sadd.s32 @!p0 s3, s7;
	s7 =	simm.s32 @!p0 $0x108  }
0x21: {  	s3 =	sadd.s32 s3, s9;
	s6 =	sadd.s32 @!p0 $0x88, s6;
	s7 =	simm.s32 @p2 $0x1082  }
0x22: {  	[simem:s7], [sflag:s8] =	dma.local @!p0 [hbm:s6], $0xF7A  }
0x23: {  	s9 =	sor.u32 $0xD0000000, s2;
	s6 =	simm.s32 $0x108;
	_ =	swait.ge @!p0 [sflag:s8], $0x0  }
0x24: {  	s3 =	sadd.s32 $0x88, s3;
	s6 =	simm.s32 @!p1 $0x1082;
	[sflag:s4] =	ssyncset.s32 $0xFFFFF086  }
0x25: {  	[simem:s6], [sflag:s4] =	dma.local [hbm:s3], $0xF7A  }
0x26: {  	[smem:$0x3F9A] =	sst s1;
	(tag) =	ssettag s2;
	_ =	strace s9  }
0x27: {  	s1 =	sld [smem:$0x3FAA]  }
0x28: {  	s2 =	sld [smem:$0x3FAB]  }
0x29: {  	s4 =	sld [smem:$0x3FAD]  }
0x2a: {  	p0 =	seq.s32 s5, $0x0;
	s5 =	sld [smem:$0x3FAE]  }
0x2b: {  	s6 =	sld [smem:$0x3FAF]  }
0x2c: {  	s7 =	sld [smem:$0x3FB0]  }
0x2d: {  	s3 =	simm.s32 $0x108;
	s8 =	sld [smem:$0x3FB1]  }
0x2e: {  	s3 =	simm.s32 @!p0 $0x1082;
	s9 =	sld [smem:$0x3FB2]  }
0x2f: {  	lr =	sadd.s32 s0, s3;
	s0 =	sld [smem:$0x3FA9]  }
0x30: {  	s3 =	sld [smem:$0x3FAC]  }
0x31: {  	[smem:$0x3FB5] =	sst s10  }
0x32: {  	s10 =	sld [smem:$0x3FB3];
	_ =	sdelay $0x3  }
0x33: {  	p0 =	seq.s32 s10, $0x1;
	s10 =	sld [smem:$0x3FB5];
	_ =	sdelay $0x3  }
0x34: {  	[smem:$0x3FB5] =	sst s10  }
0x35: {  	s10 =	sld [smem:$0x3FB4];
	_ =	sdelay $0x3  }
0x36: {  	p1 =	seq.s32 s10, $0x1;
	s10 =	sld [smem:$0x3FB5];
	_ =	sdelay $0x3  }
0x37: {  	[smem:$0x3FB5] =	sst s10  }
0x38: {  	s10 =	sld [smem:$0x3FB6]  }
0x39: {  	_ = 	snop;
	(pc) =	sbr.ind lr, $3  }
0x3a: {  	_ = 	snop  }
0x3b: {  	_ = 	snop  }
0x3c: {  	p2 =	seq.s32 s10, $0x1;
	s10 =	sld [smem:$0x3FB5]  }
0x3d: {  	_ =	shalt  }
0x3e: {  	_ =	shalt  }
0x3f: {  	_ =	shalt  }
0x40: {  	_ =	shalt  }
0x41: {  	_ =	shalt  }
0x42: {  	_ =	shalt  }
0x43: {  	_ =	shalt  }
0x44: {  	_ =	shalt  }
0x45: {  	_ =	shalt  }
0x46: {  	_ =	shalt  }
0x47: {  	_ =	shalt  }
0x48: {  	_ =	shalt  }
0x49: {  	_ =	shalt  }
0x4a: {  	_ =	shalt  }
0x4b: {  	_ =	shalt  }
0x4c: {  	_ =	shalt  }
0x4d: {  	_ =	shalt  }
0x4e: {  	_ =	shalt  }
0x4f: {  	_ =	shalt  }
0x50: {  	_ =	shalt  }
0x51: {  	_ =	shalt  }
0x52: {  	_ =	shalt  }
0x53: {  	_ =	shalt  }
0x54: {  	_ =	shalt  }
0x55: {  	_ =	shalt  }
0x56: {  	_ =	shalt  }
0x57: {  	_ =	shalt  }
0x58: {  	_ =	shalt  }
0x59: {  	_ =	shalt  }
0x5a: {  	_ =	shalt  }
0x5b: {  	_ =	shalt  }
0x5c: {  	_ =	shalt  }
0x5d: {  	_ =	shalt  }
0x5e: {  	_ =	shalt  }
0x5f: {  	_ =	shalt  }
0x60: {  	_ =	shalt  }
0x61: {  	_ =	shalt  }
0x62: {  	_ =	shalt  }
0x63: {  	_ =	shalt  }
0x64: {  	_ =	shalt  }
0x65: {  	_ =	shalt  }
0x66: {  	_ =	shalt  }
0x67: {  	_ =	shalt  }
0x68: {  	_ =	shalt  }
0x69: {  	_ =	shalt  }
0x6a: {  	_ =	shalt  }
0x6b: {  	_ =	shalt  }
0x6c: {  	_ =	shalt  }
0x6d: {  	_ =	shalt  }
0x6e: {  	_ =	shalt  }
0x6f: {  	_ =	shalt  }
0x70: {  	_ =	shalt  }
0x71: {  	_ =	shalt  }
0x72: {  	_ =	shalt  }
0x73: {  	_ =	shalt  }
0x74: {  	_ =	shalt  }
0x75: {  	_ =	shalt  }
0x76: {  	_ =	shalt  }
0x77: {  	_ =	shalt  }
0x78: {  	_ =	shalt  }
0x79: {  	_ =	shalt  }
0x7a: {  	_ =	shalt  }
0x7b: {  	_ =	shalt  }
0x7c: {  	_ =	shalt  }
0x7d: {  	_ =	shalt  }
0x7e: {  	_ =	shalt  }
0x7f: {  	_ =	shalt  }
0x80: {  	_ =	shalt  }
0x81: {  	_ =	shalt  }
0x82: {  	_ =	shalt  }
0x83: {  	_ =	shalt  }
0x84: {  	_ =	shalt  }
0x85: {  	_ =	shalt  }
0x86: {  	_ =	shalt  }
0x87: {  	_ =	shalt  }
.Lfunc_end0:
.L_simem_size_0:
called_computation_lowered:
.L_overlay_start_0:
0x88: {  	s2 =	sld [smem:$0x3FD9]  }
0x89: {  	s3 =	sld [smem:$0x3FFE];
	_ =	sdelay $0x1  }
0x8a: {  	s1 =	srdreg.scid  }
0x8b: {  	s0 =	sand.u32 $0x1, s1  }
0x8c: {  	s16 =	sshll.u32 s0, $0xA;
	s2 =	sadd.s32 s3, s2  }
0x8d: {  	s2 =	sadd.s32 s2, s16  }
0x8e: {  	[smem:$0x3FC1] =	sst s2  }
0x8f: {  	_ = 	snop  }
0x90: {  	(tm) =	ssettm $0x1  }
0x91: {  	s17 =	sld [smem:$0x3FFB];
	_ =	sdelay $0x3  }
0x92: {  	_ =	strace s17  }
0x93: {  	s2 =	sld [smem:$0x3FFC];
	_ =	sdelay $0x3  }
0x94: {  	_ =	strace s2  }
0x95: {  	s2 =	sld [smem:$0x3FFD];
	_ =	sdelay $0x3  }
0x96: {  	_ =	strace s2  }
0x97: {  	_ =	strace $0x8FFFFFFF  }
0x98: {  	s18 =	sld [smem:$0x3FDB];
	_ =	sdelay $0x1  }
0x99: {  	s19 =	simm.s32 $_scs_section_size  }
0x9a: {  	s4 =	simm.s32 $_size__tile_overlayer_lowered;
	s5 =	simm.s32 $_tile_overlayer_lowered  }
0x9b: {  	s22 =	simm.s32 $0x1BFF;
	s21 =	sshll.u32 s5, $0x1;
	s2 =	sadd.s32 s19, s18  }
0x9c: {  	s6 =	simm.s32 $0x0;
	s20 =	sshll.u32 s4, $0x1;
	s4 =	sadd.s32 s21, s2  }
0x9d: {  	[timem:s6], [sflag:s22] =	dma.local [hbm:s4], s20  }
0x9e: {  	_ =	swait.ge [sflag:s22], s20  }
0x9f: {  	s3 =	ssub.s32 $0x0, s20;
	[sflag:s22] =	ssyncset.done $0x0  }
0xa0: {  	[sflag:s22] =	ssyncadd.s32 s3;
	_ =	sdelay $0x1  }
0xa1: {  	s23 =	simm.s32 $0x1B8B  }
0xa2: {  	_ =	swait.ge [sflag:s23], $0x1  }
0xa3: {  	[sflag:s23] =	ssyncset.done $0x0  }
0xa4: {  	s25 =	simm.s32 $0x1B8E;
	s24 =	sld [smem:$0x3FFE];
	[sflag:s23] =	ssyncadd.s32 $0xFFFFFFFF  }
0xa5: {  	s26 =	simm.s32 $execute0_lowered;
	[smem:$0x3FD2] =	sst s25  }
0xa6: {  	s4 =	sshll.u32 s26, $0x1;
	_ =	strace $0x80000046;
	[dreg:$0x1] =	wrdreg $0xFFFFFFFF  }
0xa7: {  	s28 =	simm.s32 $_size_execute0_lowered;
	s2 =	sadd.s32 s2, s4;
	[dreg:$0x0] =	wrdreg $0x0  }
0xa8: {  	s4 =	sshll.u32 s28, $0x1;
	[dreg:$0x2] =	wrdreg s2  }
0xa9: {  	[dreg:$0x3] =	wrdreg s4  }
0xaa: {  	[dreg:$0x4] =	wrdreg $0xC0  }
0xab: {  	_ =	task [dreg:s6], $0x5FFFF  }
0xac: {  	[dreg:$0x1] =	wrdreg $0xFFFFFFFF  }
0xad: {  	[dreg:$0x0] =	wrdreg $0x60  }
0xae: {  	[dreg:$0x2] =	wrdreg s24  }
0xaf: {  	[dreg:$0x3] =	wrdreg $0x9  }
0xb0: {  	_ =	task.clear_ibuf [dreg:s6], $0x4FFFF;
	_ =	strace $0x90000046  }
0xb1: {  	s29 =	simm.s32 $0x9;
	_ =	strace $0x80000048  }
0xb2: {  	_ =	swait.ge [sflag:s29], $0x1  }
0xb3: {  	[sflag:s29] =	ssyncadd.s32 $0xFFFFFFFF  }
0xb4: {  	_ =	strace $0x90000048  }
0xb5: {  	_ =	sfence  }
0xb6: {  	s30 =	sld [smem:$0x0];
	_ =	sdelay $0x2  }
0xb7: {  	s31 =	sshll.u32 s1, $0xD;
	s1 =	sshrl.u32 s1, $0x2  }
0xb8: {  	s3 =	sand.u32 $0x4000, s31;
	s1 =	sadd.s32 s1, s30  }
0xb9: {  	s0 =	sor.u32 s3, s0;
	s1 =	sshll.u32 s1, $0x11  }
0xba: {  	s0 =	sor.u32 s1, s0  }
0xbb: {  	s0 =	sadd.s32 $0x8F2B, s0  }
0xbc: {  	[sflag:s0] =	ssyncadd.remote.s32 $0x1  }
0xbd: {  	_ =	sfence.sel $0xFFFF  }
0xbe: {  	[dreg:$0x0] =	wrdreg $0xFFFFFFFF;
	(pc) =	sbr.abs _section_cstart, $3  }
0xbf: {  	[dreg:$0x1] =	wrdreg $0xFFFFFFFF  }
0xc0: {  	_ =	task.clear_ibuf [dreg:s6], $0x2FFFF;
	_ =	strace $0x9FFFFFFF  }
0xc1: {  	(tm) =	ssettm $0x7FFFFFFF  }
tec
execute0_lowered:
.L_overlay_start_1:
0x0: {  	(tag) =	ssettag $0x1  }
0x1: {  	s1 =	srdreg.scid;
	s0 =	stileid.u32  }
0x2: {  	s1 =	sand.u32 $0x1, s1;
	s2 =	sshll.u32 s0, $0x1  }
0x3: {  	s5 =	rddreg [dreg:$0x0];
	s3 =	sor.u32 s1, s2;
	s2 =	simm.s32 $0x0  }
0x4: {  	s9 =	simm.s32 $0x9080;
	[smem:$0x7FF] =	sst s2  }
0x5: {  	s10 =	simm.s32 $0x800;
	_ =	strace $0x80000047;
	[dreg:$0x4] =	wrdreg s9  }
0x6: {  	s11 =	simm.s32 $0x9100;
	[dreg:$0x5] =	wrdreg s10  }
0x7: {  	s12 =	simm.s32 $0x1000;
	[dreg:$0x6] =	wrdreg s11  }
0x8: {  	s13 =	simm.s32 $0x9180;
	[dreg:$0x7] =	wrdreg s12  }
0x9: {  	s14 =	simm.s32 $0x1800;
	[dreg:$0x8] =	wrdreg s13  }
0xa: {  	s15 =	simm.s32 $0x9200;
	[dreg:$0x9] =	wrdreg s14  }
0xb: {  	s16 =	simm.s32 $0x2000;
	[dreg:$0xa] =	wrdreg s15  }
0xc: {  	s17 =	simm.s32 $0x9280;
	s4 =	smul.u32 $0x1200, s3;
	[dreg:$0xb] =	wrdreg s16  }
0xd: {  	s18 =	simm.s32 $0x2800;
	s3 =	smul.u32 $0x120, s3;
	[dreg:$0xc] =	wrdreg s17  }
0xe: {  	s6 =	simm.s32 $0x9300;
	[dreg:$0xd] =	wrdreg s18;
	s4 =	sadd.s32 s4, s5  }
0xf: {  	[dreg:$0xe] =	wrdreg s6;
	s3 =	sadd.s32 s3, s5;
	s4 =	sadd.s32 $0x121600, s4  }
0x10: {  	s3 =	sadd.s32 $0x1600, s3;
	[dreg:$0x2] =	wrdreg s4  }
0x11: {  	[dreg:$0x3] =	wrdreg s3  }
0x12: {  	s3 =	simm.s32 $0x2;
	s4 =	rddreg [dreg:$0x2]  }
0x13: {  	[tilespmem:s2], [sflag:$0x2] =	stream.linear.gather [hbm4b:s4+s2], $0x9000, $0x38;
	[tilespmem:$0x9900] =	vst v63  }
0x14: {  	_ =	swait.ge [sflag:s3], $0x9000  }
0x15: {  	[sflag:s3] =	ssyncset.done $0x0  }
0x16: {  	s4 =	simm.s32 $0x9000;
	s19 =	rddreg [dreg:$0x3];
	[sflag:s3] =	ssyncadd.s32 $0xFFFF7000  }
0x17: {  	[tilespmem:s4], [sflag:$0x2] =	stream.linear.gather [hbm4b:s19+s2], $0x900, $0x38;
	[tilespmem:$0x9900] =	vst v63  }
0x18: {  	_ =	swait.ge [sflag:s3], $0x900  }
0x19: {  	s7 =	rddreg [dreg:$0xd]  }
0x1a: {  	s8 =	rddreg [dreg:$0xb]  }
0x1b: {  	s9 =	rddreg [dreg:$0x8]  }
0x1c: {  	s6 =	simm.s32 $0x80;
	s10 =	rddreg [dreg:$0x6];
	[sflag:s3] =	ssyncset.done $0x0  }
0x1d: {  	s5 =	sadd.s32 $0x3A00, s5;
	s11 =	rddreg [dreg:$0x4];
	[sflag:s3] =	ssyncadd.s32 $0xFFFFF700  }
0x1e: {  	[hbm4b:s5+s6] =	stream.indirect.scatter [tilespmem:s2], [sflag:$0x1], $0x10, s4, s6, $0xb8;
	[tilespmem:$0x9900] =	vst v63  }
0x1f: {  	s12 =	rddreg [dreg:$0x5]  }
0x20: {  	[hbm4b:s5+s6] =	stream.indirect.scatter [tilespmem:s12], [sflag:$0x1], $0x10, s11, s6, $0xb8;
	[tilespmem:$0x9900] =	vst v63  }
0x21: {  	s13 =	rddreg [dreg:$0x7]  }
0x22: {  	[hbm4b:s5+s6] =	stream.indirect.scatter [tilespmem:s13], [sflag:$0x1], $0x10, s10, s6, $0xb8;
	[tilespmem:$0x9900] =	vst v63  }
0x23: {  	s20 =	rddreg [dreg:$0x9]  }
0x24: {  	[hbm4b:s5+s6] =	stream.indirect.scatter [tilespmem:s20], [sflag:$0x1], $0x10, s9, s6, $0xb8;
	[tilespmem:$0x9900] =	vst v63  }
0x25: {  	s21 =	rddreg [dreg:$0xa]  }
0x26: {  	[hbm4b:s5+s6] =	stream.indirect.scatter [tilespmem:s8], [sflag:$0x1], $0x10, s21, s6, $0xb8;
	[tilespmem:$0x9900] =	vst v63  }
0x27: {  	s22 =	rddreg [dreg:$0xc]  }
0x28: {  	[hbm4b:s5+s6] =	stream.indirect.scatter [tilespmem:s7], [sflag:$0x1], $0x10, s22, s6, $0xb8;
	[tilespmem:$0x9900] =	vst v63  }
0x29: {  	s24 =	simm.s32 $0x3000;
	s23 =	rddreg [dreg:$0xe]  }
0x2a: {  	[hbm4b:s5+s6] =	stream.indirect.scatter [tilespmem:s24], [sflag:$0x1], $0x10, s23, s6, $0xb8;
	[tilespmem:$0x9900] =	vst v63  }
0x2b: {  	s25 =	simm.s32 $0x9380;
	s26 =	simm.s32 $0x3800  }
0x2c: {  	[hbm4b:s5+s6] =	stream.indirect.scatter [tilespmem:s26], [sflag:$0x1], $0x10, s25, s6, $0xb8;
	[tilespmem:$0x9900] =	vst v63  }
0x2d: {  	s9 =	simm.s32 $0x4000;
	s8 =	simm.s32 $0x9400  }
0x2e: {  	[hbm4b:s5+s6] =	stream.indirect.scatter [tilespmem:s9], [sflag:$0x1], $0x10, s8, s6, $0xb8;
	[tilespmem:$0x9900] =	vst v63  }
0x2f: {  	s11 =	simm.s32 $0x4800;
	s10 =	simm.s32 $0x9480  }
0x30: {  	[hbm4b:s5+s6] =	stream.indirect.scatter [tilespmem:s11], [sflag:$0x1], $0x10, s10, s6, $0xb8;
	[tilespmem:$0x9900] =	vst v63  }
0x31: {  	s14 =	simm.s32 $0x9500;
	s15 =	simm.s32 $0x5000  }
0x32: {  	[hbm4b:s5+s6] =	stream.indirect.scatter [tilespmem:s15], [sflag:$0x1], $0x10, s14, s6, $0xb8;
	[tilespmem:$0x9900] =	vst v63  }
0x33: {  	s16 =	simm.s32 $0x9580;
	s17 =	simm.s32 $0x5800  }
0x34: {  	[hbm4b:s5+s6] =	stream.indirect.scatter [tilespmem:s17], [sflag:$0x1], $0x10, s16, s6, $0xb8;
	[tilespmem:$0x9900] =	vst v63  }
0x35: {  	s18 =	simm.s32 $0x9600;
	s19 =	simm.s32 $0x6000  }
0x36: {  	[hbm4b:s5+s6] =	stream.indirect.scatter [tilespmem:s19], [sflag:$0x1], $0x10, s18, s6, $0xb8;
	[tilespmem:$0x9900] =	vst v63  }
0x37: {  	s20 =	simm.s32 $0x9680;
	s21 =	simm.s32 $0x6800  }
0x38: {  	[hbm4b:s5+s6] =	stream.indirect.scatter [tilespmem:s21], [sflag:$0x1], $0x10, s20, s6, $0xb8;
	[tilespmem:$0x9900] =	vst v63  }
0x39: {  	s22 =	simm.s32 $0x9700;
	s23 =	simm.s32 $0x7000  }
0x3a: {  	[hbm4b:s5+s6] =	stream.indirect.scatter [tilespmem:s23], [sflag:$0x1], $0x10, s22, s6, $0xb8;
	[tilespmem:$0x9900] =	vst v63  }
0x3b: {  	s24 =	simm.s32 $0x9780;
	s25 =	simm.s32 $0x7800  }
0x3c: {  	[hbm4b:s5+s6] =	stream.indirect.scatter [tilespmem:s25], [sflag:$0x1], $0x10, s24, s6, $0xb8;
	[tilespmem:$0x9900] =	vst v63  }
0x3d: {  	s29 =	simm.s32 $0x8000;
	s26 =	simm.s32 $0x9800  }
0x3e: {  	[hbm4b:s5+s6] =	stream.indirect.scatter [tilespmem:s29], [sflag:$0x1], $0x10, s26, s6, $0xb8;
	[tilespmem:$0x9900] =	vst v63  }
0x3f: {  	s30 =	simm.s32 $0x9880;
	s31 =	simm.s32 $0x8800;
	s28 =	simm.s32 $0x1  }
0x40: {  	[hbm4b:s5+s6] =	stream.indirect.scatter [tilespmem:s31], [sflag:$0x1], $0x10, s30, s6, $0xb8;
	[tilespmem:$0x9900] =	vst v63  }
0x41: {  	_ =	swait.ge [sflag:s28], $0x800  }
0x42: {  	[sflag:s28] =	ssyncset.done $0x0  }
0x43: {  	[sflag:s28] =	ssyncadd.s32 $0xFFFFF800  }
0x44: {  	_ =	swait.ge [sflag:s28], $0x800  }
0x45: {  	[sflag:s28] =	ssyncset.done $0x0  }
0x46: {  	[sflag:s28] =	ssyncadd.s32 $0xFFFFF800  }
0x47: {  	_ =	swait.ge [sflag:s28], $0x800  }
0x48: {  	[sflag:s28] =	ssyncset.done $0x0  }
0x49: {  	[sflag:s28] =	ssyncadd.s32 $0xFFFFF800  }
0x4a: {  	_ =	swait.ge [sflag:s28], $0x800  }
0x4b: {  	[sflag:s28] =	ssyncset.done $0x0  }
0x4c: {  	[sflag:s28] =	ssyncadd.s32 $0xFFFFF800  }
0x4d: {  	_ =	swait.ge [sflag:s28], $0x800  }
0x4e: {  	[sflag:s28] =	ssyncset.done $0x0  }
0x4f: {  	[sflag:s28] =	ssyncadd.s32 $0xFFFFF800  }
0x50: {  	_ =	swait.ge [sflag:s28], $0x800  }
0x51: {  	[sflag:s28] =	ssyncset.done $0x0  }
0x52: {  	[sflag:s28] =	ssyncadd.s32 $0xFFFFF800  }
0x53: {  	_ =	swait.ge [sflag:s28], $0x800  }
0x54: {  	[sflag:s28] =	ssyncset.done $0x0  }
0x55: {  	[sflag:s28] =	ssyncadd.s32 $0xFFFFF800  }
0x56: {  	_ =	swait.ge [sflag:s28], $0x800  }
0x57: {  	[sflag:s28] =	ssyncset.done $0x0  }
0x58: {  	[sflag:s28] =	ssyncadd.s32 $0xFFFFF800  }
0x59: {  	_ =	swait.ge [sflag:s28], $0x800  }
0x5a: {  	[sflag:s28] =	ssyncset.done $0x0  }
0x5b: {  	[sflag:s28] =	ssyncadd.s32 $0xFFFFF800  }
0x5c: {  	_ =	swait.ge [sflag:s28], $0x800  }
0x5d: {  	[sflag:s28] =	ssyncset.done $0x0  }
0x5e: {  	[sflag:s28] =	ssyncadd.s32 $0xFFFFF800  }
0x5f: {  	_ =	swait.ge [sflag:s28], $0x800  }
0x60: {  	[sflag:s28] =	ssyncset.done $0x0  }
0x61: {  	[sflag:s28] =	ssyncadd.s32 $0xFFFFF800  }
0x62: {  	_ =	swait.ge [sflag:s28], $0x800  }
0x63: {  	[sflag:s28] =	ssyncset.done $0x0  }
0x64: {  	[sflag:s28] =	ssyncadd.s32 $0xFFFFF800  }
0x65: {  	_ =	swait.ge [sflag:s28], $0x800  }
0x66: {  	[sflag:s28] =	ssyncset.done $0x0  }
0x67: {  	[sflag:s28] =	ssyncadd.s32 $0xFFFFF800  }
0x68: {  	s1 =	ssub.s32 $0x2, s1;
	_ =	swait.ge [sflag:s28], $0x800  }
0x69: {  	s12 =	sshrl.u32 s1, $0x1;
	[sflag:s28] =	ssyncset.done $0x0  }
0x6a: {  	s0 =	ssub.s32 s1, s12;
	[sflag:s28] =	ssyncadd.s32 $0xFFFFF800  }
0x6b: {  	s0 =	smax.u32 s0, $0x1;
	_ =	swait.ge [sflag:s28], $0x800  }
0x6c: {  	p0 =	sne.s32 s0, $0x1;
	[sflag:s28] =	ssyncset.done $0x0  }
.Ltmp0:
0x6d: {  	[sflag:s28] =	ssyncadd.s32 $0xFFFFF800;
	(pc) =	sbr.rel @!p0 .LBB2_2-.Ltmp0, $4  }
0x6e: {  	_ =	swait.ge [sflag:s28], $0x800  }
0x6f: {  	[sflag:s28] =	ssyncset.done $0x0  }
0x70: {  	[sflag:s28] =	ssyncadd.s32 $0xFFFFF800  }
0x71: {  	s13 =	simm.s32 $0x4800;
	s1 =	sadd.s32 $0xFFFFFFFF, s0;
	_ =	swait.ge [sflag:s28], $0x800  }
.LBB2_1:
0x72: {  	[sflag:s28] =	ssyncset.done $0x0  }
0x73: {  	[sflag:s28] =	ssyncadd.s32 $0xFFFFF800  }
0x74: {  	_ =	swait.ge [sflag:s28], $0x800  }
0x75: {  	[sflag:s28] =	ssyncset.done $0x0  }
0x76: {  	s0 =	rddreg [dreg:$0x2];
	[sflag:s28] =	ssyncadd.s32 $0xFFFFF800  }
0x77: {  	[tilespmem:s2], [sflag:$0x2] =	stream.linear.gather [hbm4b:s0+s2], $0x9000, $0x38;
	[tilespmem:$0x9900] =	vst v63  }
0x78: {  	_ =	swait.ge [sflag:s3], $0x9000  }
0x79: {  	[sflag:s3] =	ssyncset.done $0x0  }
0x7a: {  	s10 =	rddreg [dreg:$0x3];
	[sflag:s3] =	ssyncadd.s32 $0xFFFF7000  }
0x7b: {  	[tilespmem:s4], [sflag:$0x2] =	stream.linear.gather [hbm4b:s10+s2], $0x900, $0x38;
	[tilespmem:$0x9900] =	vst v63  }
0x7c: {  	_ =	swait.ge [sflag:s3], $0x900  }
0x7d: {  	s0 =	rddreg [dreg:$0xd]  }
0x7e: {  	s7 =	rddreg [dreg:$0xb]  }
0x7f: {  	s8 =	rddreg [dreg:$0x8]  }
0x80: {  	[sflag:s3] =	ssyncset.done $0x0;
	s9 =	rddreg [dreg:$0x6]  }
0x81: {  	s10 =	rddreg [dreg:$0x4];
	[sflag:s3] =	ssyncadd.s32 $0xFFFFF700  }
0x82: {  	[hbm4b:s5+s6] =	stream.indirect.scatter [tilespmem:s2], [sflag:$0x1], $0x10, s4, s6, $0xb8;
	[tilespmem:$0x9900] =	vst v63  }
0x83: {  	s11 =	rddreg [dreg:$0x5]  }
0x84: {  	[hbm4b:s5+s6] =	stream.indirect.scatter [tilespmem:s11], [sflag:$0x1], $0x10, s10, s6, $0xb8;
	[tilespmem:$0x9900] =	vst v63  }
0x85: {  	s12 =	rddreg [dreg:$0x7]  }
0x86: {  	[hbm4b:s5+s6] =	stream.indirect.scatter [tilespmem:s12], [sflag:$0x1], $0x10, s9, s6, $0xb8;
	[tilespmem:$0x9900] =	vst v63  }
0x87: {  	s11 =	rddreg [dreg:$0x9]  }
0x88: {  	[hbm4b:s5+s6] =	stream.indirect.scatter [tilespmem:s11], [sflag:$0x1], $0x10, s8, s6, $0xb8;
	[tilespmem:$0x9900] =	vst v63  }
0x89: {  	s12 =	rddreg [dreg:$0xa]  }
0x8a: {  	[hbm4b:s5+s6] =	stream.indirect.scatter [tilespmem:s7], [sflag:$0x1], $0x10, s12, s6, $0xb8;
	[tilespmem:$0x9900] =	vst v63  }
0x8b: {  	s10 =	rddreg [dreg:$0xc]  }
0x8c: {  	[hbm4b:s5+s6] =	stream.indirect.scatter [tilespmem:s0], [sflag:$0x1], $0x10, s10, s6, $0xb8;
	[tilespmem:$0x9900] =	vst v63  }
0x8d: {  	s11 =	rddreg [dreg:$0xe];
	s12 =	simm.s32 $0x3000  }
0x8e: {  	[hbm4b:s5+s6] =	stream.indirect.scatter [tilespmem:s12], [sflag:$0x1], $0x10, s11, s6, $0xb8;
	[tilespmem:$0x9900] =	vst v63  }
0x8f: {  	s9 =	simm.s32 $0x3800;
	s8 =	simm.s32 $0x9380  }
0x90: {  	[hbm4b:s5+s6] =	stream.indirect.scatter [tilespmem:s9], [sflag:$0x1], $0x10, s8, s6, $0xb8;
	[tilespmem:$0x9900] =	vst v63  }
0x91: {  	s10 =	simm.s32 $0x9400;
	s11 =	simm.s32 $0x4000  }
0x92: {  	[hbm4b:s5+s6] =	stream.indirect.scatter [tilespmem:s11], [sflag:$0x1], $0x10, s10, s6, $0xb8;
	[tilespmem:$0x9900] =	vst v63  }
0x93: {  	s12 =	simm.s32 $0x9480  }
0x94: {  	[hbm4b:s5+s6] =	stream.indirect.scatter [tilespmem:s13], [sflag:$0x1], $0x10, s12, s6, $0xb8;
	[tilespmem:$0x9900] =	vst v63  }
0x95: {  	_ = 	snop  }
0x96: {  	[hbm4b:s5+s6] =	stream.indirect.scatter [tilespmem:s15], [sflag:$0x1], $0x10, s14, s6, $0xb8;
	[tilespmem:$0x9900] =	vst v63  }
0x97: {  	_ = 	snop  }
0x98: {  	[hbm4b:s5+s6] =	stream.indirect.scatter [tilespmem:s17], [sflag:$0x1], $0x10, s16, s6, $0xb8;
	[tilespmem:$0x9900] =	vst v63  }
0x99: {  	_ = 	snop  }
0x9a: {  	[hbm4b:s5+s6] =	stream.indirect.scatter [tilespmem:s19], [sflag:$0x1], $0x10, s18, s6, $0xb8;
	[tilespmem:$0x9900] =	vst v63  }
0x9b: {  	_ = 	snop  }
0x9c: {  	[hbm4b:s5+s6] =	stream.indirect.scatter [tilespmem:s21], [sflag:$0x1], $0x10, s20, s6, $0xb8;
	[tilespmem:$0x9900] =	vst v63  }
0x9d: {  	_ = 	snop  }
0x9e: {  	[hbm4b:s5+s6] =	stream.indirect.scatter [tilespmem:s23], [sflag:$0x1], $0x10, s22, s6, $0xb8;
	[tilespmem:$0x9900] =	vst v63  }
0x9f: {  	_ = 	snop  }
0xa0: {  	[hbm4b:s5+s6] =	stream.indirect.scatter [tilespmem:s25], [sflag:$0x1], $0x10, s24, s6, $0xb8;
	[tilespmem:$0x9900] =	vst v63  }
0xa1: {  	_ = 	snop  }
0xa2: {  	[hbm4b:s5+s6] =	stream.indirect.scatter [tilespmem:s29], [sflag:$0x1], $0x10, s26, s6, $0xb8;
	[tilespmem:$0x9900] =	vst v63  }
0xa3: {  	_ = 	snop  }
0xa4: {  	[hbm4b:s5+s6] =	stream.indirect.scatter [tilespmem:s31], [sflag:$0x1], $0x10, s30, s6, $0xb8;
	[tilespmem:$0x9900] =	vst v63  }
0xa5: {  	_ =	swait.ge [sflag:s28], $0x800  }
0xa6: {  	[sflag:s28] =	ssyncset.done $0x0  }
0xa7: {  	[sflag:s28] =	ssyncadd.s32 $0xFFFFF800  }
0xa8: {  	_ =	swait.ge [sflag:s28], $0x800  }
0xa9: {  	[sflag:s28] =	ssyncset.done $0x0  }
0xaa: {  	[sflag:s28] =	ssyncadd.s32 $0xFFFFF800  }
0xab: {  	_ =	swait.ge [sflag:s28], $0x800  }
0xac: {  	[sflag:s28] =	ssyncset.done $0x0  }
0xad: {  	[sflag:s28] =	ssyncadd.s32 $0xFFFFF800  }
0xae: {  	_ =	swait.ge [sflag:s28], $0x800  }
0xaf: {  	[sflag:s28] =	ssyncset.done $0x0  }
0xb0: {  	[sflag:s28] =	ssyncadd.s32 $0xFFFFF800  }
0xb1: {  	_ =	swait.ge [sflag:s28], $0x800  }
0xb2: {  	[sflag:s28] =	ssyncset.done $0x0  }
0xb3: {  	[sflag:s28] =	ssyncadd.s32 $0xFFFFF800  }
0xb4: {  	_ =	swait.ge [sflag:s28], $0x800  }
0xb5: {  	[sflag:s28] =	ssyncset.done $0x0  }
0xb6: {  	[sflag:s28] =	ssyncadd.s32 $0xFFFFF800  }
0xb7: {  	_ =	swait.ge [sflag:s28], $0x800  }
0xb8: {  	[sflag:s28] =	ssyncset.done $0x0  }
0xb9: {  	[sflag:s28] =	ssyncadd.s32 $0xFFFFF800  }
0xba: {  	_ =	swait.ge [sflag:s28], $0x800  }
0xbb: {  	[sflag:s28] =	ssyncset.done $0x0  }
0xbc: {  	[sflag:s28] =	ssyncadd.s32 $0xFFFFF800  }
0xbd: {  	_ =	swait.ge [sflag:s28], $0x800  }
0xbe: {  	[sflag:s28] =	ssyncset.done $0x0  }
0xbf: {  	[sflag:s28] =	ssyncadd.s32 $0xFFFFF800  }
0xc0: {  	_ =	swait.ge [sflag:s28], $0x800  }
0xc1: {  	[sflag:s28] =	ssyncset.done $0x0  }
0xc2: {  	[sflag:s28] =	ssyncadd.s32 $0xFFFFF800  }
0xc3: {  	_ =	swait.ge [sflag:s28], $0x800  }
0xc4: {  	[sflag:s28] =	ssyncset.done $0x0  }
0xc5: {  	[sflag:s28] =	ssyncadd.s32 $0xFFFFF800  }
0xc6: {  	_ =	swait.ge [sflag:s28], $0x800  }
0xc7: {  	[sflag:s28] =	ssyncset.done $0x0  }
0xc8: {  	[sflag:s28] =	ssyncadd.s32 $0xFFFFF800  }
0xc9: {  	_ =	swait.ge [sflag:s28], $0x800  }
0xca: {  	[sflag:s28] =	ssyncset.done $0x0  }
0xcb: {  	[sflag:s28] =	ssyncadd.s32 $0xFFFFF800  }
0xcc: {  	_ =	swait.ge [sflag:s28], $0x800  }
0xcd: {  	[sflag:s28] =	ssyncset.done $0x0  }
0xce: {  	[sflag:s28] =	ssyncadd.s32 $0xFFFFF800  }
0xcf: {  	_ =	swait.ge [sflag:s28], $0x800  }
0xd0: {  	p0 =	sne.s32 s1, $0x1;
	[sflag:s28] =	ssyncset.done $0x0  }
.Ltmp1:
0xd1: {  	[sflag:s28] =	ssyncadd.s32 $0xFFFFF800;
	(pc) =	sbr.rel @p0 .LBB2_1-.Ltmp1, $4  }
0xd2: {  	_ =	swait.ge [sflag:s28], $0x800  }
0xd3: {  	[sflag:s28] =	ssyncset.done $0x0  }
0xd4: {  	[sflag:s28] =	ssyncadd.s32 $0xFFFFF800  }
0xd5: {  	s1 =	sadd.s32 $0xFFFFFFFF, s1;
	_ =	swait.ge [sflag:s28], $0x800  }
.LBB2_2:
0xd6: {  	[sflag:s28] =	ssyncset.done $0x0  }
0xd7: {  	[sflag:s28] =	ssyncadd.s32 $0xFFFFF800  }
0xd8: {  	_ =	swait.ge [sflag:s28], $0x800  }
0xd9: {  	[sflag:s28] =	ssyncset.done $0x0  }
0xda: {  	[sflag:s28] =	ssyncadd.s32 $0xFFFFF800  }
0xdb: {  	_ =	sfence.sel $0x180000  }
0xdc: {  	[bflag:$0x0] =	sbarrier.arrive $0xFFFF  }
0xdd: {  	_ =	strace $0x90000047  }
0xde: {  	s0 =	stileid.u32;
	[bflag:$0x2] =	sbarrier.arrive $0xFFFF  }
0xdf: {  	p0 =	sne.s32 s0, $0x0;
	s0 =	rddreg [dreg:$0x1]  }
0xe0: {  	s0 =	sadd.s32 @!p0 $0x100000, s0  }
0xe1: {  	[sflag:s0] =	ssyncadd.tile.s32 @!p0 $0x1;
	_ =	shalt  }
.Lfunc_end2:
_tile_overlayer_lowered:
.L_overlay_start_2:
0xe2: {  	(tag) =	ssettag $0x2  }
0xe3: {  	s0 =	rddreg [dreg:$0x0];
	s2 =	stileid.u32  }
0xe4: {  	s1 =	rddreg [dreg:$0x1];
	p0 =	sne.s32 s2, $0x0  }
0xe5: {  	s3 =	rddreg [dreg:$0x2];
	[bflag:$0x3] =	sbarrier.arrive $0xFFFF;
	s2 =	simm.s32 @!p0 $0x1C02  }
0xe6: {  	[timem:s3], [sflag:s2] =	dma.local @!p0 [hbm:s0], s1  }
0xe7: {  	s0 =	simm.s32 @!p0 $0x2  }
0xe8: {  	_ =	swait.ge @!p0 [sflag:s0], s1  }
0xe9: {  	s1 =	ssub.s32 @!p0 $0x0, s1;
	[sflag:s0] =	ssyncset.done @!p0 $0x0  }
0xea: {  	[sflag:s0] =	ssyncadd.s32 @!p0 s1  }
0xeb: {  	[bflag:$0x3] =	sbarrier.arrive $0xFFFF  }
0xec: {  	_ =	shalt  }

</sc_bundles>
